<compile_context>
chip_gen: v7x
topology: tpu7x:2x2x1
jax: 0.10.2.dev20260603
libtpu: 0.0.44.dev20260713+nightly
codegen_flags: <defaults>
</compile_context>

<pallas_src>
import jax
import jax.numpy as jnp
from jax import lax
from jax.experimental import pallas as pl
from jax.experimental.pallas import tpu as pltpu
from jax.experimental.pallas import tpu_sc as plsc

NUM_BINS = 15
EPS = 1e-9
ROWS = 16384
COLS = 1000

_NC = 2
_NS = 16
_NW = _NC * _NS
_L = 16
_CR = 16
_PW = 2 * COLS
_NV = _PW // _L
_BV = COLS // _L


def _tc_body(x_ref, u_ref, cal_ref, o_ref):
    x = x_ref[...]
    m = jnp.max(x, axis=1, keepdims=True)
    e = jnp.exp(x - m)
    s = jnp.sum(e, axis=1, keepdims=True)
    p = jnp.clip(e / s, EPS, 1.0 - EPS)
    acc = jnp.full(x.shape, cal_ref[0], dtype=jnp.float32)
    for j in range(NUM_BINS - 1):
        acc = acc + jnp.where(p >= u_ref[j], cal_ref[j + 1], 0.0)
    o_ref[...] = acc


def _tc_calibrate(logits, u, cal, block_rows, blk0=0):
    n_blocks = logits.shape[0] // block_rows - blk0
    return pl.pallas_call(
        _tc_body,
        grid=(n_blocks,),
        in_specs=[
            pl.BlockSpec((block_rows, COLS), lambda i: (i + blk0, 0)),
            pl.BlockSpec(memory_space=pltpu.SMEM),
            pl.BlockSpec(memory_space=pltpu.SMEM),
        ],
        out_specs=pl.BlockSpec((block_rows, COLS), lambda i: (i + blk0, 0)),
        out_shape=jax.ShapeDtypeStruct(logits.shape, jnp.float32),
    )(logits, u, cal)


def _sc_calibrate(logits_flat, u16, t16, n_rows, interpret=False):
    rpw = n_rows // _NW
    nk = rpw // _CR
    cw = _CR * COLS

    def body(x_hbm, u_hbm, t_hbm, o_hbm, st, ob, uv, tv):
        wid = lax.axis_index("s") * _NC + lax.axis_index("c")
        pltpu.sync_copy(u_hbm, uv)
        pltpu.sync_copy(t_hbm, tv)
        lane = lax.iota(jnp.int32, 16)
        lo8 = lane < 8
        uvec = uv[...]
        tvec = tv[...]

        vt = [jnp.full((_L,), tvec[j], jnp.float32) for j in range(NUM_BINS)]
        ninf = jnp.full((_L,), -jnp.inf, jnp.float32)
        zero = jnp.zeros((_L,), jnp.float32)

        def row_thresholds(s_scalar):
            out = []
            for j in range(NUM_BINS - 1):
                uj = uvec[j]
                w = jnp.where(uj <= jnp.float32(EPS), -jnp.inf,
                              jnp.where(uj > jnp.float32(1.0 - EPS), jnp.inf,
                                        uj * s_scalar))
                out.append(jnp.full((_L,), w, jnp.float32))
            return out

        def chain(e, vth):
            acc = vt[0]
            for j in range(NUM_BINS - 1):
                acc = jnp.where(e >= vth[j], vt[j + 1], acc)
            return acc

        def pair(pb, carry0):
            base = pb * _PW

            def maxloop(off0):
                @plsc.parallel_loop(0, _BV, 1, unroll=8, carry=ninf)
                def step(ci, acc):
                    return jnp.maximum(acc, st[pl.ds(off0 + ci * _L, _L)])
                return step
            with jax.named_scope("passA"):
                accA = maxloop(base)
                accB = maxloop(base + (_BV + 1) * _L)
            vb = st[pl.ds(base + _BV * _L, _L)]
            mA = jnp.max(jnp.maximum(accA, jnp.where(lo8, vb, -jnp.inf)))
            mB = jnp.max(jnp.maximum(accB, jnp.where(lo8, -jnp.inf, vb)))
            mAv = jnp.full((_L,), mA, jnp.float32)
            mBv = jnp.full((_L,), mB, jnp.float32)

            def exploop(off0, mv):
                @plsc.parallel_loop(0, _BV, 1, unroll=8, carry=zero)
                def step(ci, acc):
                    off = off0 + ci * _L
                    e = jnp.exp(st[pl.ds(off, _L)] - mv)
                    st[pl.ds(off, _L)] = e
                    return acc + e
                return step
            with jax.named_scope("passB"):
                sumA = exploop(base, mAv)
                sumB = exploop(base + (_BV + 1) * _L, mBv)
            eb = jnp.exp(vb - jnp.where(lo8, mAv, mBv))
            st[pl.ds(base + _BV * _L, _L)] = eb
            sA = jnp.sum(sumA) + jnp.sum(jnp.where(lo8, eb, 0.0))
            sB = jnp.sum(sumB) + jnp.sum(jnp.where(lo8, 0.0, eb))

            vthA = row_thresholds(sA)
            vthB = row_thresholds(sB)

            def calloop(off0, vth):
                @plsc.parallel_loop(0, _BV, 1, unroll=8)
                def step(ci):
                    off = off0 + ci * _L
                    ob[pl.ds(off, _L)] = chain(st[pl.ds(off, _L)], vth)
            with jax.named_scope("passC"):
                calloop(base, vthA)
                calloop(base + (_BV + 1) * _L, vthB)
            vthP = [jnp.where(lo8, a, b) for a, b in zip(vthA, vthB)]
            ob[pl.ds(base + _BV * _L, _L)] = chain(eb, vthP)
            return carry0

        def chunk(k, carry0):
            w0 = (wid * nk + k) * cw
            pltpu.sync_copy(x_hbm.at[pl.ds(w0, cw)], st)
            lax.fori_loop(0, _CR // 2, pair, 0)
            pltpu.sync_copy(ob, o_hbm.at[pl.ds(w0, cw)])
            return carry0

        lax.fori_loop(0, nk, chunk, 0)

    return pl.kernel(
        body,
        out_type=jax.ShapeDtypeStruct((n_rows * COLS,), jnp.float32),
        mesh=plsc.VectorSubcoreMesh(core_axis_name="c", subcore_axis_name="s"),
        compiler_params=pltpu.CompilerParams(needs_layout_passes=False),
        scratch_types=[
            pltpu.VMEM((cw,), jnp.float32),
            pltpu.VMEM((cw,), jnp.float32),
            pltpu.VMEM((16,), jnp.float32),
            pltpu.VMEM((16,), jnp.float32),
        ],
        interpret=interpret,
    )(logits_flat, u16, t16)


_SC_ROWS = 2048
_TC_BLOCK = 256




@jax.jit
def kernel(logits, bin_boundaries, bin_reprs):
    u = jax.nn.sigmoid(bin_boundaries)
    t = jax.nn.sigmoid(bin_reprs)
    cal = jnp.concatenate([t[:1], jnp.diff(t)])
    u16 = jnp.pad(u, (0, 2))
    t16 = jnp.pad(t, (0, 1))
    sc_flat = _sc_calibrate(logits[:_SC_ROWS].reshape(-1), u16, t16, _SC_ROWS)
    tc_full = _tc_calibrate(logits, u, cal, _TC_BLOCK,
                            blk0=_SC_ROWS // _TC_BLOCK)
    return lax.dynamic_update_slice(
        tc_full, sc_flat.reshape(_SC_ROWS, COLS), (0, 0))

# --- scband reference (transcript-rebuilt; emitter-appended) ---
"""Pipeline reference for scband-imax-calib-42958262894790 (READ-ONLY COPY).

The authoritative reference and input builder live on the scoring server;
editing this copy changes nothing except your own understanding.
"""

import jax, jax.numpy as jnp
import numpy as np

NUM_BINS = 15
EPS = 1e-9

def setup_inputs(seed: int = 0) -> dict:
    key = jax.random.key(seed)
    k1, k2, k3 = jax.random.split(key, 3)
    logits = jax.random.normal(k1, (16384, 1000), dtype=jnp.float32) * 2.0
    # learned shared class-wise (sCW) bin boundaries in logodds space, must be sorted
    bin_boundaries = jnp.sort(jax.random.normal(k2, (NUM_BINS - 1,), dtype=jnp.float32) * 3.0)
    # learned bin representatives in logodds space, sorted for monotone calibration map
    bin_reprs = jnp.sort(jax.random.normal(k3, (NUM_BINS,), dtype=jnp.float32) * 4.0)
    return {"logits": logits, "bin_boundaries": bin_boundaries, "bin_reprs": bin_reprs}

def reference(logits, bin_boundaries, bin_reprs):
    # utils.to_softmax
    probs = jax.nn.softmax(logits, axis=1)
    probs = jnp.clip(probs, EPS, 1.0 - EPS)
    # utils.quick_logits_to_logodds: one-vs-rest logodds per class
    logodds = jnp.log(probs) - jnp.log1p(-probs)
    # histogram binning: assign each logodds value to a bin (shared class-wise boundaries)
    assigned = jnp.searchsorted(bin_boundaries, logodds.reshape(-1), side="right").reshape(logodds.shape)
    # replace each value with its bin representative logodds (gather)
    cal_logodds = jnp.take(bin_reprs, assigned, axis=0)
    # calibrated probabilities
    cal_probs = jax.nn.sigmoid(cal_logodds)
    return cal_probs

if __name__ == "__main__":
    import jax
    _d = setup_inputs()
    print(jax.jit(kernel)(*tuple(_d.values())))

</pallas_src>

<mosaic_0001>
#map = affine_map<(d0, d1) -> (0)>
module attributes {stable_mosaic.version = 14 : i64} {
  func.func @body(%arg0: i32, %arg1: i32, %arg2: memref<2048000xf32, #tpu.memory_space<hbm>>, %arg3: memref<16xf32, #tpu.memory_space<hbm>>, %arg4: memref<16xf32, #tpu.memory_space<hbm>>, %arg5: memref<2048000xf32, #tpu.memory_space<hbm>>, %arg6: memref<16000xf32, #tpu.memory_space<vmem>>, %arg7: memref<16000xf32, #tpu.memory_space<vmem>>, %arg8: memref<16xf32, #tpu.memory_space<vmem>>, %arg9: memref<16xf32, #tpu.memory_space<vmem>>) attributes {dimension_semantics = [#tpu.dimension_semantics<core_parallel>, #tpu.dimension_semantics<subcore_parallel>], iteration_bounds = array<i64: 2, 16>, scalar_prefetch = 0 : i64, scratch_operands = 4 : i64, tpu.core_type = #tpu.core_type<sc_vector_subcore>, window_params = [{transform_indices = #map}, {transform_indices = #map}, {transform_indices = #map}, {transform_indices = #map}]} {
    %mul3A = arith.constant 2 : i32
    %mul3A_0 = arith.muli %arg1, %mul3A : i32
    %add3A = arith.addi %mul3A_0, %arg0 : i32
    "tpu.region"() ({
      %run_scoped3A = tpu.sem_alloc : memref<!tpu.dma_semaphore, #tpu.memory_space<semaphore_mem>>
      tpu.enqueue_dma source(%arg3 : memref<16xf32, #tpu.memory_space<hbm>>) target(%arg8 : memref<16xf32, #tpu.memory_space<vmem>>) target_semaphore(%run_scoped3A : memref<!tpu.dma_semaphore, #tpu.memory_space<semaphore_mem>>)
      tpu.wait_dma2 semaphore(%run_scoped3A : memref<!tpu.dma_semaphore, #tpu.memory_space<semaphore_mem>>) src(%arg3 : memref<16xf32, #tpu.memory_space<hbm>>) dst(%arg8 : memref<16xf32, #tpu.memory_space<vmem>>)
      tpu.yield
    }) : () -> ()
    "tpu.region"() ({
      %run_scoped3A = tpu.sem_alloc : memref<!tpu.dma_semaphore, #tpu.memory_space<semaphore_mem>>
      tpu.enqueue_dma source(%arg4 : memref<16xf32, #tpu.memory_space<hbm>>) target(%arg9 : memref<16xf32, #tpu.memory_space<vmem>>) target_semaphore(%run_scoped3A : memref<!tpu.dma_semaphore, #tpu.memory_space<semaphore_mem>>)
      tpu.wait_dma2 semaphore(%run_scoped3A : memref<!tpu.dma_semaphore, #tpu.memory_space<semaphore_mem>>) src(%arg4 : memref<16xf32, #tpu.memory_space<hbm>>) dst(%arg9 : memref<16xf32, #tpu.memory_space<vmem>>)
      tpu.yield
    }) : () -> ()
    %iota3A = tpu.iota {dimensions = array<i32: 0>} : vector<16xi32>
    %lt3A = arith.constant 8 : i32
    %lt3A_1 = vector.broadcast %lt3A : i32 to vector<16xi32>
    %lt3A_2 = arith.cmpi slt, %iota3A, %lt3A_1 : vector<16xi32>
    %get3A = arith.constant 0 : index
    %get3A_3 = tpu.vector_load %arg8[%get3A] {strides = array<i32>} : memref<16xf32, #tpu.memory_space<vmem>>, vector<16xf32>,
    %get3A_4 = arith.constant 0 : index
    %get3A_5 = tpu.vector_load %arg9[%get3A_4] {strides = array<i32>} : memref<16xf32, #tpu.memory_space<vmem>>, vector<16xf32>,
    %slice3A = vector.extract_strided_slice %get3A_5 {offsets = [0], sizes = [1], strides = [1]} : vector<16xf32> to vector<1xf32>
    %squeeze3A = vector.extract %slice3A[0] : f32 from vector<1xf32>
    %broadcast_in_dim3A = vector.broadcast %squeeze3A : f32 to vector<16xf32>
    %slice3A_6 = vector.extract_strided_slice %get3A_5 {offsets = [1], sizes = [1], strides = [1]} : vector<16xf32> to vector<1xf32>
    %squeeze3A_7 = vector.extract %slice3A_6[0] : f32 from vector<1xf32>
    %broadcast_in_dim3A_8 = vector.broadcast %squeeze3A_7 : f32 to vector<16xf32>
    %slice3A_9 = vector.extract_strided_slice %get3A_5 {offsets = [2], sizes = [1], strides = [1]} : vector<16xf32> to vector<1xf32>
    %squeeze3A_10 = vector.extract %slice3A_9[0] : f32 from vector<1xf32>
    %broadcast_in_dim3A_11 = vector.broadcast %squeeze3A_10 : f32 to vector<16xf32>
    %slice3A_12 = vector.extract_strided_slice %get3A_5 {offsets = [3], sizes = [1], strides = [1]} : vector<16xf32> to vector<1xf32>
    %squeeze3A_13 = vector.extract %slice3A_12[0] : f32 from vector<1xf32>
    %broadcast_in_dim3A_14 = vector.broadcast %squeeze3A_13 : f32 to vector<16xf32>
    %slice3A_15 = vector.extract_strided_slice %get3A_5 {offsets = [4], sizes = [1], strides = [1]} : vector<16xf32> to vector<1xf32>
    %squeeze3A_16 = vector.extract %slice3A_15[0] : f32 from vector<1xf32>
    %broadcast_in_dim3A_17 = vector.broadcast %squeeze3A_16 : f32 to vector<16xf32>
    %slice3A_18 = vector.extract_strided_slice %get3A_5 {offsets = [5], sizes = [1], strides = [1]} : vector<16xf32> to vector<1xf32>
    %squeeze3A_19 = vector.extract %slice3A_18[0] : f32 from vector<1xf32>
    %broadcast_in_dim3A_20 = vector.broadcast %squeeze3A_19 : f32 to vector<16xf32>
    %slice3A_21 = vector.extract_strided_slice %get3A_5 {offsets = [6], sizes = [1], strides = [1]} : vector<16xf32> to vector<1xf32>
    %squeeze3A_22 = vector.extract %slice3A_21[0] : f32 from vector<1xf32>
    %broadcast_in_dim3A_23 = vector.broadcast %squeeze3A_22 : f32 to vector<16xf32>
    %slice3A_24 = vector.extract_strided_slice %get3A_5 {offsets = [7], sizes = [1], strides = [1]} : vector<16xf32> to vector<1xf32>
    %squeeze3A_25 = vector.extract %slice3A_24[0] : f32 from vector<1xf32>
    %broadcast_in_dim3A_26 = vector.broadcast %squeeze3A_25 : f32 to vector<16xf32>
    %slice3A_27 = vector.extract_strided_slice %get3A_5 {offsets = [8], sizes = [1], strides = [1]} : vector<16xf32> to vector<1xf32>
    %squeeze3A_28 = vector.extract %slice3A_27[0] : f32 from vector<1xf32>
    %broadcast_in_dim3A_29 = vector.broadcast %squeeze3A_28 : f32 to vector<16xf32>
    %slice3A_30 = vector.extract_strided_slice %get3A_5 {offsets = [9], sizes = [1], strides = [1]} : vector<16xf32> to vector<1xf32>
    %squeeze3A_31 = vector.extract %slice3A_30[0] : f32 from vector<1xf32>
    %broadcast_in_dim3A_32 = vector.broadcast %squeeze3A_31 : f32 to vector<16xf32>
    %slice3A_33 = vector.extract_strided_slice %get3A_5 {offsets = [10], sizes = [1], strides = [1]} : vector<16xf32> to vector<1xf32>
    %squeeze3A_34 = vector.extract %slice3A_33[0] : f32 from vector<1xf32>
    %broadcast_in_dim3A_35 = vector.broadcast %squeeze3A_34 : f32 to vector<16xf32>
    %slice3A_36 = vector.extract_strided_slice %get3A_5 {offsets = [11], sizes = [1], strides = [1]} : vector<16xf32> to vector<1xf32>
    %squeeze3A_37 = vector.extract %slice3A_36[0] : f32 from vector<1xf32>
    %broadcast_in_dim3A_38 = vector.broadcast %squeeze3A_37 : f32 to vector<16xf32>
    %slice3A_39 = vector.extract_strided_slice %get3A_5 {offsets = [12], sizes = [1], strides = [1]} : vector<16xf32> to vector<1xf32>
    %squeeze3A_40 = vector.extract %slice3A_39[0] : f32 from vector<1xf32>
    %broadcast_in_dim3A_41 = vector.broadcast %squeeze3A_40 : f32 to vector<16xf32>
    %slice3A_42 = vector.extract_strided_slice %get3A_5 {offsets = [13], sizes = [1], strides = [1]} : vector<16xf32> to vector<1xf32>
    %squeeze3A_43 = vector.extract %slice3A_42[0] : f32 from vector<1xf32>
    %broadcast_in_dim3A_44 = vector.broadcast %squeeze3A_43 : f32 to vector<16xf32>
    %slice3A_45 = vector.extract_strided_slice %get3A_5 {offsets = [14], sizes = [1], strides = [1]} : vector<16xf32> to vector<1xf32>
    %squeeze3A_46 = vector.extract %slice3A_45[0] : f32 from vector<1xf32>
    %broadcast_in_dim3A_47 = vector.broadcast %squeeze3A_46 : f32 to vector<16xf32>
    %broadcast_in_dim3A_48 = arith.constant 0xFF800000 : f32
    %broadcast_in_dim3A_49 = vector.broadcast %broadcast_in_dim3A_48 : f32 to vector<16xf32>
    %broadcast_in_dim3A_50 = arith.constant 0.000000e+00 : f32
    %broadcast_in_dim3A_51 = vector.broadcast %broadcast_in_dim3A_50 : f32 to vector<16xf32>
    %scan3A = arith.constant 0 : i32
    %scan3A_52 = arith.constant 0 : i32
    %scan3A_53 = arith.constant 4 : i32
    %scan3A_54 = arith.addi %scan3A_52, %scan3A_53 : i32
    %scan3A_55 = arith.constant 1 : i32
    scf.for %scan3A_57 = %scan3A_52 to %scan3A_54 step %scan3A_55  : i32 {
      %mul3A_58 = arith.constant 4 : i32
      %mul3A_59 = arith.muli %add3A, %mul3A_58 : i32
      %add3A_60 = arith.addi %mul3A_59, %scan3A_57 : i32
      %mul3A_61 = arith.constant 16000 : i32
      %mul3A_62 = arith.muli %add3A_60, %mul3A_61 : i32
      "tpu.region"() ({
        %run_scoped3A = tpu.sem_alloc : memref<!tpu.dma_semaphore, #tpu.memory_space<semaphore_mem>>
        %dma_start3A = tpu.memref_slice %arg2[%mul3A_62] : memref<2048000xf32, #tpu.memory_space<hbm>> -> memref<16000xf32, #tpu.memory_space<hbm>>
        %dma_start3A_69 = tpu.memref_slice %arg2[%mul3A_62] : memref<2048000xf32, #tpu.memory_space<hbm>> -> memref<16000xf32, #tpu.memory_space<hbm>>
        tpu.enqueue_dma source(%dma_start3A_69 : memref<16000xf32, #tpu.memory_space<hbm>>) target(%arg6 : memref<16000xf32, #tpu.memory_space<vmem>>) target_semaphore(%run_scoped3A : memref<!tpu.dma_semaphore, #tpu.memory_space<semaphore_mem>>)
        %dma_wait3A = tpu.memref_slice %arg2[%mul3A_62] : memref<2048000xf32, #tpu.memory_space<hbm>> -> memref<16000xf32, #tpu.memory_space<hbm>>
        %dma_wait3A_70 = tpu.memref_slice %arg2[%mul3A_62] : memref<2048000xf32, #tpu.memory_space<hbm>> -> memref<16000xf32, #tpu.memory_space<hbm>>
        tpu.wait_dma2 semaphore(%run_scoped3A : memref<!tpu.dma_semaphore, #tpu.memory_space<semaphore_mem>>) src(%dma_wait3A_70 : memref<16000xf32, #tpu.memory_space<hbm>>) dst(%arg6 : memref<16000xf32, #tpu.memory_space<vmem>>)
        tpu.yield
      }) : () -> ()
      %scan3A_63 = arith.constant 0 : i32
      %scan3A_64 = arith.constant 0 : i32
      %scan3A_65 = arith.constant 8 : i32
      %scan3A_66 = arith.addi %scan3A_64, %scan3A_65 : i32
      %scan3A_67 = arith.constant 1 : i32
      scf.for %scan3A_69 = %scan3A_64 to %scan3A_66 step %scan3A_67  : i32 {
        %mul3A_70 = arith.constant 2000 : i32
        %mul3A_71 = arith.muli %scan3A_69, %mul3A_70 : i32
        %parallel_loop3A = arith.constant 0 : i32
        %parallel_loop3A_72 = arith.constant 62 : i32
        %parallel_loop3A_73 = arith.constant 1 : i32
        "tpu.trace_start"() <{level = 10 : i32, message = "passA"}> : () -> ()
        %parallel_loop3A_74 = scf.for %parallel_loop3A_523 = %parallel_loop3A to %parallel_loop3A_72 step %parallel_loop3A_73 iter_args(%parallel_loop3A_524 = %broadcast_in_dim3A_49) -> (vector<16xf32>)  : i32 {
          %parallel_loop3A_525 = arith.constant 16 : i32
          %parallel_loop3A_526 = arith.muli %parallel_loop3A_523, %parallel_loop3A_525 : i32
          %parallel_loop3A_527 = arith.addi %mul3A_71, %parallel_loop3A_526 : i32
          %parallel_loop3A_528 = arith.index_cast %parallel_loop3A_527 : i32 to index
          %parallel_loop3A_529 = tpu.vector_load %arg6[%parallel_loop3A_528] {strides = array<i32>} : memref<16000xf32, #tpu.memory_space<vmem>>, vector<16xf32>,
          %parallel_loop3A_530 = arith.maximumf %parallel_loop3A_524, %parallel_loop3A_529 : vector<16xf32>
          scf.yield %parallel_loop3A_530 : vector<16xf32>
        } {sc.loop_unroll_factor = 8 : i64, sc.parallel_access}
        %add3A_75 = arith.constant 1008 : i32
        %add3A_76 = arith.addi %mul3A_71, %add3A_75 : i32
        %parallel_loop3A_77 = arith.constant 0 : i32
        %parallel_loop3A_78 = arith.constant 62 : i32
        %parallel_loop3A_79 = arith.constant 1 : i32
        %parallel_loop3A_80 = scf.for %parallel_loop3A_523 = %parallel_loop3A_77 to %parallel_loop3A_78 step %parallel_loop3A_79 iter_args(%parallel_loop3A_524 = %broadcast_in_dim3A_49) -> (vector<16xf32>)  : i32 {
          %parallel_loop3A_525 = arith.constant 16 : i32
          %parallel_loop3A_526 = arith.muli %parallel_loop3A_523, %parallel_loop3A_525 : i32
          %parallel_loop3A_527 = arith.addi %add3A_76, %parallel_loop3A_526 : i32
          %parallel_loop3A_528 = arith.index_cast %parallel_loop3A_527 : i32 to index
          %parallel_loop3A_529 = tpu.vector_load %arg6[%parallel_loop3A_528] {strides = array<i32>} : memref<16000xf32, #tpu.memory_space<vmem>>, vector<16xf32>,
          %parallel_loop3A_530 = arith.maximumf %parallel_loop3A_524, %parallel_loop3A_529 : vector<16xf32>
          scf.yield %parallel_loop3A_530 : vector<16xf32>
        } {sc.loop_unroll_factor = 8 : i64, sc.parallel_access}
        "tpu.trace_stop"() : () -> ()
        %add3A_81 = arith.constant 992 : i32
        %add3A_82 = arith.addi %mul3A_71, %add3A_81 : i32
        %get3A_83 = arith.index_cast %add3A_82 : i32 to index
        %get3A_84 = tpu.vector_load %arg6[%get3A_83] {strides = array<i32>} : memref<16000xf32, #tpu.memory_space<vmem>>, vector<16xf32>,
        %jit3A = arith.constant 0xFF800000 : f32
        %broadcast_in_dim3A_85 = vector.broadcast %jit3A : f32 to vector<16xf32>
        %select_n3A = arith.select %lt3A_2, %get3A_84, %broadcast_in_dim3A_85 : vector<16xi1>, vector<16xf32>
        %max3A = arith.maximumf %parallel_loop3A_74, %select_n3A : vector<16xf32>
        %reduce_max3A = arith.constant true
        %reduce_max3A_86 = vector.broadcast %reduce_max3A : i1 to vector<16xi1>
        %reduce_max3A_87 = tpu.scan <max>, %max3A masked %reduce_max3A_86 : vector<16xf32>, vector<16xi1> -> vector<16xf32>
        %reduce_max3A_88 = vector.extract %reduce_max3A_87[15] : f32 from vector<16xf32>
        %jit3A_89 = arith.constant 0xFF800000 : f32
        %broadcast_in_dim3A_90 = vector.broadcast %jit3A_89 : f32 to vector<16xf32>
        %select_n3A_91 = arith.select %lt3A_2, %broadcast_in_dim3A_90, %get3A_84 : vector<16xi1>, vector<16xf32>
        %max3A_92 = arith.maximumf %parallel_loop3A_80, %select_n3A_91 : vector<16xf32>
        %reduce_max3A_93 = arith.constant true
        %reduce_max3A_94 = vector.broadcast %reduce_max3A_93 : i1 to vector<16xi1>
        %reduce_max3A_95 = tpu.scan <max>, %max3A_92 masked %reduce_max3A_94 : vector<16xf32>, vector<16xi1> -> vector<16xf32>
        %reduce_max3A_96 = vector.extract %reduce_max3A_95[15] : f32 from vector<16xf32>
        %broadcast_in_dim3A_97 = vector.broadcast %reduce_max3A_88 : f32 to vector<16xf32>
        %broadcast_in_dim3A_98 = vector.broadcast %reduce_max3A_96 : f32 to vector<16xf32>
        %parallel_loop3A_99 = arith.constant 0 : i32
        %parallel_loop3A_100 = arith.constant 62 : i32
        %parallel_loop3A_101 = arith.constant 1 : i32
        "tpu.trace_start"() <{level = 10 : i32, message = "passB"}> : () -> ()
        %parallel_loop3A_102 = scf.for %parallel_loop3A_523 = %parallel_loop3A_99 to %parallel_loop3A_100 step %parallel_loop3A_101 iter_args(%parallel_loop3A_524 = %broadcast_in_dim3A_51) -> (vector<16xf32>)  : i32 {
          %parallel_loop3A_525 = arith.constant 16 : i32
          %parallel_loop3A_526 = arith.muli %parallel_loop3A_523, %parallel_loop3A_525 : i32
          %parallel_loop3A_527 = arith.addi %mul3A_71, %parallel_loop3A_526 : i32
          %parallel_loop3A_528 = arith.index_cast %parallel_loop3A_527 : i32 to index
          %parallel_loop3A_529 = tpu.vector_load %arg6[%parallel_loop3A_528] {strides = array<i32>} : memref<16000xf32, #tpu.memory_space<vmem>>, vector<16xf32>,
          %parallel_loop3A_530 = arith.subf %parallel_loop3A_529, %broadcast_in_dim3A_97 : vector<16xf32>
          %parallel_loop3A_531 = math.exp %parallel_loop3A_530 : vector<16xf32>
          %parallel_loop3A_532 = arith.index_cast %parallel_loop3A_527 : i32 to index
          %parallel_loop3A_533 = tpu.vector_load %arg6[%parallel_loop3A_532] {strides = array<i32>} : memref<16000xf32, #tpu.memory_space<vmem>>, vector<16xf32>,
          tpu.vector_store %arg6[%parallel_loop3A_532], %parallel_loop3A_531 {strides = array<i32>} : memref<16000xf32, #tpu.memory_space<vmem>>, vector<16xf32>,
          %parallel_loop3A_534 = arith.addf %parallel_loop3A_524, %parallel_loop3A_531 : vector<16xf32>
          scf.yield %parallel_loop3A_534 : vector<16xf32>
        } {sc.loop_unroll_factor = 8 : i64, sc.parallel_access}
        %add3A_103 = arith.constant 1008 : i32
        %add3A_104 = arith.addi %mul3A_71, %add3A_103 : i32
        %parallel_loop3A_105 = arith.constant 0 : i32
        %parallel_loop3A_106 = arith.constant 62 : i32
        %parallel_loop3A_107 = arith.constant 1 : i32
        %parallel_loop3A_108 = scf.for %parallel_loop3A_523 = %parallel_loop3A_105 to %parallel_loop3A_106 step %parallel_loop3A_107 iter_args(%parallel_loop3A_524 = %broadcast_in_dim3A_51) -> (vector<16xf32>)  : i32 {
          %parallel_loop3A_525 = arith.constant 16 : i32
          %parallel_loop3A_526 = arith.muli %parallel_loop3A_523, %parallel_loop3A_525 : i32
          %parallel_loop3A_527 = arith.addi %add3A_104, %parallel_loop3A_526 : i32
          %parallel_loop3A_528 = arith.index_cast %parallel_loop3A_527 : i32 to index
          %parallel_loop3A_529 = tpu.vector_load %arg6[%parallel_loop3A_528] {strides = array<i32>} : memref<16000xf32, #tpu.memory_space<vmem>>, vector<16xf32>,
          %parallel_loop3A_530 = arith.subf %parallel_loop3A_529, %broadcast_in_dim3A_98 : vector<16xf32>
          %parallel_loop3A_531 = math.exp %parallel_loop3A_530 : vector<16xf32>
          %parallel_loop3A_532 = arith.index_cast %parallel_loop3A_527 : i32 to index
          %parallel_loop3A_533 = tpu.vector_load %arg6[%parallel_loop3A_532] {strides = array<i32>} : memref<16000xf32, #tpu.memory_space<vmem>>, vector<16xf32>,
          tpu.vector_store %arg6[%parallel_loop3A_532], %parallel_loop3A_531 {strides = array<i32>} : memref<16000xf32, #tpu.memory_space<vmem>>, vector<16xf32>,
          %parallel_loop3A_534 = arith.addf %parallel_loop3A_524, %parallel_loop3A_531 : vector<16xf32>
          scf.yield %parallel_loop3A_534 : vector<16xf32>
        } {sc.loop_unroll_factor = 8 : i64, sc.parallel_access}
        "tpu.trace_stop"() : () -> ()
        %select_n3A_109 = arith.select %lt3A_2, %broadcast_in_dim3A_97, %broadcast_in_dim3A_98 : vector<16xi1>, vector<16xf32>
        %sub3A = arith.subf %get3A_84, %select_n3A_109 : vector<16xf32>
        %exp3A = math.exp %sub3A : vector<16xf32>
        %add3A_110 = arith.constant 992 : i32
        %add3A_111 = arith.addi %mul3A_71, %add3A_110 : i32
        %swap3A = arith.index_cast %add3A_111 : i32 to index
        %swap3A_112 = tpu.vector_load %arg6[%swap3A] {strides = array<i32>} : memref<16000xf32, #tpu.memory_space<vmem>>, vector<16xf32>,
        tpu.vector_store %arg6[%swap3A], %exp3A {strides = array<i32>} : memref<16000xf32, #tpu.memory_space<vmem>>, vector<16xf32>,
        %reduce_sum3A = arith.constant true
        %reduce_sum3A_113 = vector.broadcast %reduce_sum3A : i1 to vector<16xi1>
        %reduce_sum3A_114 = tpu.scan <sum>, %parallel_loop3A_102 masked %reduce_sum3A_113 : vector<16xf32>, vector<16xi1> -> vector<16xf32>
        %reduce_sum3A_115 = vector.extract %reduce_sum3A_114[15] : f32 from vector<16xf32>
        %jit3A_116 = arith.constant 0.000000e+00 : f32
        %broadcast_in_dim3A_117 = vector.broadcast %jit3A_116 : f32 to vector<16xf32>
        %select_n3A_118 = arith.select %lt3A_2, %exp3A, %broadcast_in_dim3A_117 : vector<16xi1>, vector<16xf32>
        %reduce_sum3A_119 = arith.constant true
        %reduce_sum3A_120 = vector.broadcast %reduce_sum3A_119 : i1 to vector<16xi1>
        %reduce_sum3A_121 = tpu.scan <sum>, %select_n3A_118 masked %reduce_sum3A_120 : vector<16xf32>, vector<16xi1> -> vector<16xf32>
        %reduce_sum3A_122 = vector.extract %reduce_sum3A_121[15] : f32 from vector<16xf32>
        %add3A_123 = arith.addf %reduce_sum3A_115, %reduce_sum3A_122 : f32
        %reduce_sum3A_124 = arith.constant true
        %reduce_sum3A_125 = vector.broadcast %reduce_sum3A_124 : i1 to vector<16xi1>
        %reduce_sum3A_126 = tpu.scan <sum>, %parallel_loop3A_108 masked %reduce_sum3A_125 : vector<16xf32>, vector<16xi1> -> vector<16xf32>
        %reduce_sum3A_127 = vector.extract %reduce_sum3A_126[15] : f32 from vector<16xf32>
        %jit3A_128 = arith.constant 0.000000e+00 : f32
        %broadcast_in_dim3A_129 = vector.broadcast %jit3A_128 : f32 to vector<16xf32>
        %select_n3A_130 = arith.select %lt3A_2, %broadcast_in_dim3A_129, %exp3A : vector<16xi1>, vector<16xf32>
        %reduce_sum3A_131 = arith.constant true
        %reduce_sum3A_132 = vector.broadcast %reduce_sum3A_131 : i1 to vector<16xi1>
        %reduce_sum3A_133 = tpu.scan <sum>, %select_n3A_130 masked %reduce_sum3A_132 : vector<16xf32>, vector<16xi1> -> vector<16xf32>
        %reduce_sum3A_134 = vector.extract %reduce_sum3A_133[15] : f32 from vector<16xf32>
        %add3A_135 = arith.addf %reduce_sum3A_127, %reduce_sum3A_134 : f32
        %slice3A_136 = vector.extract_strided_slice %get3A_3 {offsets = [0], sizes = [1], strides = [1]} : vector<16xf32> to vector<1xf32>
        %squeeze3A_137 = vector.extract %slice3A_136[0] : f32 from vector<1xf32>
        %le3A = arith.constant 9.99999971E-10 : f32
        %le3A_138 = arith.cmpf ole, %squeeze3A_137, %le3A : f32
        %gt3A = arith.constant 1.000000e+00 : f32
        %gt3A_139 = arith.cmpf ogt, %squeeze3A_137, %gt3A : f32
        %mul3A_140 = arith.mulf %squeeze3A_137, %add3A_123 : f32
        %jit3A_141 = arith.constant 0x7F800000 : f32
        %select_n3A_142 = arith.select %gt3A_139, %jit3A_141, %mul3A_140 : f32
        %jit3A_143 = arith.constant 0xFF800000 : f32
        %select_n3A_144 = arith.select %le3A_138, %jit3A_143, %select_n3A_142 : f32
        %broadcast_in_dim3A_145 = vector.broadcast %select_n3A_144 : f32 to vector<16xf32>
        %slice3A_146 = vector.extract_strided_slice %get3A_3 {offsets = [1], sizes = [1], strides = [1]} : vector<16xf32> to vector<1xf32>
        %squeeze3A_147 = vector.extract %slice3A_146[0] : f32 from vector<1xf32>
        %le3A_148 = arith.constant 9.99999971E-10 : f32
        %le3A_149 = arith.cmpf ole, %squeeze3A_147, %le3A_148 : f32
        %gt3A_150 = arith.constant 1.000000e+00 : f32
        %gt3A_151 = arith.cmpf ogt, %squeeze3A_147, %gt3A_150 : f32
        %mul3A_152 = arith.mulf %squeeze3A_147, %add3A_123 : f32
        %jit3A_153 = arith.constant 0x7F800000 : f32
        %select_n3A_154 = arith.select %gt3A_151, %jit3A_153, %mul3A_152 : f32
        %jit3A_155 = arith.constant 0xFF800000 : f32
        %select_n3A_156 = arith.select %le3A_149, %jit3A_155, %select_n3A_154 : f32
        %broadcast_in_dim3A_157 = vector.broadcast %select_n3A_156 : f32 to vector<16xf32>
        %slice3A_158 = vector.extract_strided_slice %get3A_3 {offsets = [2], sizes = [1], strides = [1]} : vector<16xf32> to vector<1xf32>
        %squeeze3A_159 = vector.extract %slice3A_158[0] : f32 from vector<1xf32>
        %le3A_160 = arith.constant 9.99999971E-10 : f32
        %le3A_161 = arith.cmpf ole, %squeeze3A_159, %le3A_160 : f32
        %gt3A_162 = arith.constant 1.000000e+00 : f32
        %gt3A_163 = arith.cmpf ogt, %squeeze3A_159, %gt3A_162 : f32
        %mul3A_164 = arith.mulf %squeeze3A_159, %add3A_123 : f32
        %jit3A_165 = arith.constant 0x7F800000 : f32
        %select_n3A_166 = arith.select %gt3A_163, %jit3A_165, %mul3A_164 : f32
        %jit3A_167 = arith.constant 0xFF800000 : f32
        %select_n3A_168 = arith.select %le3A_161, %jit3A_167, %select_n3A_166 : f32
        %broadcast_in_dim3A_169 = vector.broadcast %select_n3A_168 : f32 to vector<16xf32>
        %slice3A_170 = vector.extract_strided_slice %get3A_3 {offsets = [3], sizes = [1], strides = [1]} : vector<16xf32> to vector<1xf32>
        %squeeze3A_171 = vector.extract %slice3A_170[0] : f32 from vector<1xf32>
        %le3A_172 = arith.constant 9.99999971E-10 : f32
        %le3A_173 = arith.cmpf ole, %squeeze3A_171, %le3A_172 : f32
        %gt3A_174 = arith.constant 1.000000e+00 : f32
        %gt3A_175 = arith.cmpf ogt, %squeeze3A_171, %gt3A_174 : f32
        %mul3A_176 = arith.mulf %squeeze3A_171, %add3A_123 : f32
        %jit3A_177 = arith.constant 0x7F800000 : f32
        %select_n3A_178 = arith.select %gt3A_175, %jit3A_177, %mul3A_176 : f32
        %jit3A_179 = arith.constant 0xFF800000 : f32
        %select_n3A_180 = arith.select %le3A_173, %jit3A_179, %select_n3A_178 : f32
        %broadcast_in_dim3A_181 = vector.broadcast %select_n3A_180 : f32 to vector<16xf32>
        %slice3A_182 = vector.extract_strided_slice %get3A_3 {offsets = [4], sizes = [1], strides = [1]} : vector<16xf32> to vector<1xf32>
        %squeeze3A_183 = vector.extract %slice3A_182[0] : f32 from vector<1xf32>
        %le3A_184 = arith.constant 9.99999971E-10 : f32
        %le3A_185 = arith.cmpf ole, %squeeze3A_183, %le3A_184 : f32
        %gt3A_186 = arith.constant 1.000000e+00 : f32
        %gt3A_187 = arith.cmpf ogt, %squeeze3A_183, %gt3A_186 : f32
        %mul3A_188 = arith.mulf %squeeze3A_183, %add3A_123 : f32
        %jit3A_189 = arith.constant 0x7F800000 : f32
        %select_n3A_190 = arith.select %gt3A_187, %jit3A_189, %mul3A_188 : f32
        %jit3A_191 = arith.constant 0xFF800000 : f32
        %select_n3A_192 = arith.select %le3A_185, %jit3A_191, %select_n3A_190 : f32
        %broadcast_in_dim3A_193 = vector.broadcast %select_n3A_192 : f32 to vector<16xf32>
        %slice3A_194 = vector.extract_strided_slice %get3A_3 {offsets = [5], sizes = [1], strides = [1]} : vector<16xf32> to vector<1xf32>
        %squeeze3A_195 = vector.extract %slice3A_194[0] : f32 from vector<1xf32>
        %le3A_196 = arith.constant 9.99999971E-10 : f32
        %le3A_197 = arith.cmpf ole, %squeeze3A_195, %le3A_196 : f32
        %gt3A_198 = arith.constant 1.000000e+00 : f32
        %gt3A_199 = arith.cmpf ogt, %squeeze3A_195, %gt3A_198 : f32
        %mul3A_200 = arith.mulf %squeeze3A_195, %add3A_123 : f32
        %jit3A_201 = arith.constant 0x7F800000 : f32
        %select_n3A_202 = arith.select %gt3A_199, %jit3A_201, %mul3A_200 : f32
        %jit3A_203 = arith.constant 0xFF800000 : f32
        %select_n3A_204 = arith.select %le3A_197, %jit3A_203, %select_n3A_202 : f32
        %broadcast_in_dim3A_205 = vector.broadcast %select_n3A_204 : f32 to vector<16xf32>
        %slice3A_206 = vector.extract_strided_slice %get3A_3 {offsets = [6], sizes = [1], strides = [1]} : vector<16xf32> to vector<1xf32>
        %squeeze3A_207 = vector.extract %slice3A_206[0] : f32 from vector<1xf32>
        %le3A_208 = arith.constant 9.99999971E-10 : f32
        %le3A_209 = arith.cmpf ole, %squeeze3A_207, %le3A_208 : f32
        %gt3A_210 = arith.constant 1.000000e+00 : f32
        %gt3A_211 = arith.cmpf ogt, %squeeze3A_207, %gt3A_210 : f32
        %mul3A_212 = arith.mulf %squeeze3A_207, %add3A_123 : f32
        %jit3A_213 = arith.constant 0x7F800000 : f32
        %select_n3A_214 = arith.select %gt3A_211, %jit3A_213, %mul3A_212 : f32
        %jit3A_215 = arith.constant 0xFF800000 : f32
        %select_n3A_216 = arith.select %le3A_209, %jit3A_215, %select_n3A_214 : f32
        %broadcast_in_dim3A_217 = vector.broadcast %select_n3A_216 : f32 to vector<16xf32>
        %slice3A_218 = vector.extract_strided_slice %get3A_3 {offsets = [7], sizes = [1], strides = [1]} : vector<16xf32> to vector<1xf32>
        %squeeze3A_219 = vector.extract %slice3A_218[0] : f32 from vector<1xf32>
        %le3A_220 = arith.constant 9.99999971E-10 : f32
        %le3A_221 = arith.cmpf ole, %squeeze3A_219, %le3A_220 : f32
        %gt3A_222 = arith.constant 1.000000e+00 : f32
        %gt3A_223 = arith.cmpf ogt, %squeeze3A_219, %gt3A_222 : f32
        %mul3A_224 = arith.mulf %squeeze3A_219, %add3A_123 : f32
        %jit3A_225 = arith.constant 0x7F800000 : f32
        %select_n3A_226 = arith.select %gt3A_223, %jit3A_225, %mul3A_224 : f32
        %jit3A_227 = arith.constant 0xFF800000 : f32
        %select_n3A_228 = arith.select %le3A_221, %jit3A_227, %select_n3A_226 : f32
        %broadcast_in_dim3A_229 = vector.broadcast %select_n3A_228 : f32 to vector<16xf32>
        %slice3A_230 = vector.extract_strided_slice %get3A_3 {offsets = [8], sizes = [1], strides = [1]} : vector<16xf32> to vector<1xf32>
        %squeeze3A_231 = vector.extract %slice3A_230[0] : f32 from vector<1xf32>
        %le3A_232 = arith.constant 9.99999971E-10 : f32
        %le3A_233 = arith.cmpf ole, %squeeze3A_231, %le3A_232 : f32
        %gt3A_234 = arith.constant 1.000000e+00 : f32
        %gt3A_235 = arith.cmpf ogt, %squeeze3A_231, %gt3A_234 : f32
        %mul3A_236 = arith.mulf %squeeze3A_231, %add3A_123 : f32
        %jit3A_237 = arith.constant 0x7F800000 : f32
        %select_n3A_238 = arith.select %gt3A_235, %jit3A_237, %mul3A_236 : f32
        %jit3A_239 = arith.constant 0xFF800000 : f32
        %select_n3A_240 = arith.select %le3A_233, %jit3A_239, %select_n3A_238 : f32
        %broadcast_in_dim3A_241 = vector.broadcast %select_n3A_240 : f32 to vector<16xf32>
        %slice3A_242 = vector.extract_strided_slice %get3A_3 {offsets = [9], sizes = [1], strides = [1]} : vector<16xf32> to vector<1xf32>
        %squeeze3A_243 = vector.extract %slice3A_242[0] : f32 from vector<1xf32>
        %le3A_244 = arith.constant 9.99999971E-10 : f32
        %le3A_245 = arith.cmpf ole, %squeeze3A_243, %le3A_244 : f32
        %gt3A_246 = arith.constant 1.000000e+00 : f32
        %gt3A_247 = arith.cmpf ogt, %squeeze3A_243, %gt3A_246 : f32
        %mul3A_248 = arith.mulf %squeeze3A_243, %add3A_123 : f32
        %jit3A_249 = arith.constant 0x7F800000 : f32
        %select_n3A_250 = arith.select %gt3A_247, %jit3A_249, %mul3A_248 : f32
        %jit3A_251 = arith.constant 0xFF800000 : f32
        %select_n3A_252 = arith.select %le3A_245, %jit3A_251, %select_n3A_250 : f32
        %broadcast_in_dim3A_253 = vector.broadcast %select_n3A_252 : f32 to vector<16xf32>
        %slice3A_254 = vector.extract_strided_slice %get3A_3 {offsets = [10], sizes = [1], strides = [1]} : vector<16xf32> to vector<1xf32>
        %squeeze3A_255 = vector.extract %slice3A_254[0] : f32 from vector<1xf32>
        %le3A_256 = arith.constant 9.99999971E-10 : f32
        %le3A_257 = arith.cmpf ole, %squeeze3A_255, %le3A_256 : f32
        %gt3A_258 = arith.constant 1.000000e+00 : f32
        %gt3A_259 = arith.cmpf ogt, %squeeze3A_255, %gt3A_258 : f32
        %mul3A_260 = arith.mulf %squeeze3A_255, %add3A_123 : f32
        %jit3A_261 = arith.constant 0x7F800000 : f32
        %select_n3A_262 = arith.select %gt3A_259, %jit3A_261, %mul3A_260 : f32
        %jit3A_263 = arith.constant 0xFF800000 : f32
        %select_n3A_264 = arith.select %le3A_257, %jit3A_263, %select_n3A_262 : f32
        %broadcast_in_dim3A_265 = vector.broadcast %select_n3A_264 : f32 to vector<16xf32>
        %slice3A_266 = vector.extract_strided_slice %get3A_3 {offsets = [11], sizes = [1], strides = [1]} : vector<16xf32> to vector<1xf32>
        %squeeze3A_267 = vector.extract %slice3A_266[0] : f32 from vector<1xf32>
        %le3A_268 = arith.constant 9.99999971E-10 : f32
        %le3A_269 = arith.cmpf ole, %squeeze3A_267, %le3A_268 : f32
        %gt3A_270 = arith.constant 1.000000e+00 : f32
        %gt3A_271 = arith.cmpf ogt, %squeeze3A_267, %gt3A_270 : f32
        %mul3A_272 = arith.mulf %squeeze3A_267, %add3A_123 : f32
        %jit3A_273 = arith.constant 0x7F800000 : f32
        %select_n3A_274 = arith.select %gt3A_271, %jit3A_273, %mul3A_272 : f32
        %jit3A_275 = arith.constant 0xFF800000 : f32
        %select_n3A_276 = arith.select %le3A_269, %jit3A_275, %select_n3A_274 : f32
        %broadcast_in_dim3A_277 = vector.broadcast %select_n3A_276 : f32 to vector<16xf32>
        %slice3A_278 = vector.extract_strided_slice %get3A_3 {offsets = [12], sizes = [1], strides = [1]} : vector<16xf32> to vector<1xf32>
        %squeeze3A_279 = vector.extract %slice3A_278[0] : f32 from vector<1xf32>
        %le3A_280 = arith.constant 9.99999971E-10 : f32
        %le3A_281 = arith.cmpf ole, %squeeze3A_279, %le3A_280 : f32
        %gt3A_282 = arith.constant 1.000000e+00 : f32
        %gt3A_283 = arith.cmpf ogt, %squeeze3A_279, %gt3A_282 : f32
        %mul3A_284 = arith.mulf %squeeze3A_279, %add3A_123 : f32
        %jit3A_285 = arith.constant 0x7F800000 : f32
        %select_n3A_286 = arith.select %gt3A_283, %jit3A_285, %mul3A_284 : f32
        %jit3A_287 = arith.constant 0xFF800000 : f32
        %select_n3A_288 = arith.select %le3A_281, %jit3A_287, %select_n3A_286 : f32
        %broadcast_in_dim3A_289 = vector.broadcast %select_n3A_288 : f32 to vector<16xf32>
        %slice3A_290 = vector.extract_strided_slice %get3A_3 {offsets = [13], sizes = [1], strides = [1]} : vector<16xf32> to vector<1xf32>
        %squeeze3A_291 = vector.extract %slice3A_290[0] : f32 from vector<1xf32>
        %le3A_292 = arith.constant 9.99999971E-10 : f32
        %le3A_293 = arith.cmpf ole, %squeeze3A_291, %le3A_292 : f32
        %gt3A_294 = arith.constant 1.000000e+00 : f32
        %gt3A_295 = arith.cmpf ogt, %squeeze3A_291, %gt3A_294 : f32
        %mul3A_296 = arith.mulf %squeeze3A_291, %add3A_123 : f32
        %jit3A_297 = arith.constant 0x7F800000 : f32
        %select_n3A_298 = arith.select %gt3A_295, %jit3A_297, %mul3A_296 : f32
        %jit3A_299 = arith.constant 0xFF800000 : f32
        %select_n3A_300 = arith.select %le3A_293, %jit3A_299, %select_n3A_298 : f32
        %broadcast_in_dim3A_301 = vector.broadcast %select_n3A_300 : f32 to vector<16xf32>
        %slice3A_302 = vector.extract_strided_slice %get3A_3 {offsets = [0], sizes = [1], strides = [1]} : vector<16xf32> to vector<1xf32>
        %squeeze3A_303 = vector.extract %slice3A_302[0] : f32 from vector<1xf32>
        %le3A_304 = arith.constant 9.99999971E-10 : f32
        %le3A_305 = arith.cmpf ole, %squeeze3A_303, %le3A_304 : f32
        %gt3A_306 = arith.constant 1.000000e+00 : f32
        %gt3A_307 = arith.cmpf ogt, %squeeze3A_303, %gt3A_306 : f32
        %mul3A_308 = arith.mulf %squeeze3A_303, %add3A_135 : f32
        %jit3A_309 = arith.constant 0x7F800000 : f32
        %select_n3A_310 = arith.select %gt3A_307, %jit3A_309, %mul3A_308 : f32
        %jit3A_311 = arith.constant 0xFF800000 : f32
        %select_n3A_312 = arith.select %le3A_305, %jit3A_311, %select_n3A_310 : f32
        %broadcast_in_dim3A_313 = vector.broadcast %select_n3A_312 : f32 to vector<16xf32>
        %slice3A_314 = vector.extract_strided_slice %get3A_3 {offsets = [1], sizes = [1], strides = [1]} : vector<16xf32> to vector<1xf32>
        %squeeze3A_315 = vector.extract %slice3A_314[0] : f32 from vector<1xf32>
        %le3A_316 = arith.constant 9.99999971E-10 : f32
        %le3A_317 = arith.cmpf ole, %squeeze3A_315, %le3A_316 : f32
        %gt3A_318 = arith.constant 1.000000e+00 : f32
        %gt3A_319 = arith.cmpf ogt, %squeeze3A_315, %gt3A_318 : f32
        %mul3A_320 = arith.mulf %squeeze3A_315, %add3A_135 : f32
        %jit3A_321 = arith.constant 0x7F800000 : f32
        %select_n3A_322 = arith.select %gt3A_319, %jit3A_321, %mul3A_320 : f32
        %jit3A_323 = arith.constant 0xFF800000 : f32
        %select_n3A_324 = arith.select %le3A_317, %jit3A_323, %select_n3A_322 : f32
        %broadcast_in_dim3A_325 = vector.broadcast %select_n3A_324 : f32 to vector<16xf32>
        %slice3A_326 = vector.extract_strided_slice %get3A_3 {offsets = [2], sizes = [1], strides = [1]} : vector<16xf32> to vector<1xf32>
        %squeeze3A_327 = vector.extract %slice3A_326[0] : f32 from vector<1xf32>
        %le3A_328 = arith.constant 9.99999971E-10 : f32
        %le3A_329 = arith.cmpf ole, %squeeze3A_327, %le3A_328 : f32
        %gt3A_330 = arith.constant 1.000000e+00 : f32
        %gt3A_331 = arith.cmpf ogt, %squeeze3A_327, %gt3A_330 : f32
        %mul3A_332 = arith.mulf %squeeze3A_327, %add3A_135 : f32
        %jit3A_333 = arith.constant 0x7F800000 : f32
        %select_n3A_334 = arith.select %gt3A_331, %jit3A_333, %mul3A_332 : f32
        %jit3A_335 = arith.constant 0xFF800000 : f32
        %select_n3A_336 = arith.select %le3A_329, %jit3A_335, %select_n3A_334 : f32
        %broadcast_in_dim3A_337 = vector.broadcast %select_n3A_336 : f32 to vector<16xf32>
        %slice3A_338 = vector.extract_strided_slice %get3A_3 {offsets = [3], sizes = [1], strides = [1]} : vector<16xf32> to vector<1xf32>
        %squeeze3A_339 = vector.extract %slice3A_338[0] : f32 from vector<1xf32>
        %le3A_340 = arith.constant 9.99999971E-10 : f32
        %le3A_341 = arith.cmpf ole, %squeeze3A_339, %le3A_340 : f32
        %gt3A_342 = arith.constant 1.000000e+00 : f32
        %gt3A_343 = arith.cmpf ogt, %squeeze3A_339, %gt3A_342 : f32
        %mul3A_344 = arith.mulf %squeeze3A_339, %add3A_135 : f32
        %jit3A_345 = arith.constant 0x7F800000 : f32
        %select_n3A_346 = arith.select %gt3A_343, %jit3A_345, %mul3A_344 : f32
        %jit3A_347 = arith.constant 0xFF800000 : f32
        %select_n3A_348 = arith.select %le3A_341, %jit3A_347, %select_n3A_346 : f32
        %broadcast_in_dim3A_349 = vector.broadcast %select_n3A_348 : f32 to vector<16xf32>
        %slice3A_350 = vector.extract_strided_slice %get3A_3 {offsets = [4], sizes = [1], strides = [1]} : vector<16xf32> to vector<1xf32>
        %squeeze3A_351 = vector.extract %slice3A_350[0] : f32 from vector<1xf32>
        %le3A_352 = arith.constant 9.99999971E-10 : f32
        %le3A_353 = arith.cmpf ole, %squeeze3A_351, %le3A_352 : f32
        %gt3A_354 = arith.constant 1.000000e+00 : f32
        %gt3A_355 = arith.cmpf ogt, %squeeze3A_351, %gt3A_354 : f32
        %mul3A_356 = arith.mulf %squeeze3A_351, %add3A_135 : f32
        %jit3A_357 = arith.constant 0x7F800000 : f32
        %select_n3A_358 = arith.select %gt3A_355, %jit3A_357, %mul3A_356 : f32
        %jit3A_359 = arith.constant 0xFF800000 : f32
        %select_n3A_360 = arith.select %le3A_353, %jit3A_359, %select_n3A_358 : f32
        %broadcast_in_dim3A_361 = vector.broadcast %select_n3A_360 : f32 to vector<16xf32>
        %slice3A_362 = vector.extract_strided_slice %get3A_3 {offsets = [5], sizes = [1], strides = [1]} : vector<16xf32> to vector<1xf32>
        %squeeze3A_363 = vector.extract %slice3A_362[0] : f32 from vector<1xf32>
        %le3A_364 = arith.constant 9.99999971E-10 : f32
        %le3A_365 = arith.cmpf ole, %squeeze3A_363, %le3A_364 : f32
        %gt3A_366 = arith.constant 1.000000e+00 : f32
        %gt3A_367 = arith.cmpf ogt, %squeeze3A_363, %gt3A_366 : f32
        %mul3A_368 = arith.mulf %squeeze3A_363, %add3A_135 : f32
        %jit3A_369 = arith.constant 0x7F800000 : f32
        %select_n3A_370 = arith.select %gt3A_367, %jit3A_369, %mul3A_368 : f32
        %jit3A_371 = arith.constant 0xFF800000 : f32
        %select_n3A_372 = arith.select %le3A_365, %jit3A_371, %select_n3A_370 : f32
        %broadcast_in_dim3A_373 = vector.broadcast %select_n3A_372 : f32 to vector<16xf32>
        %slice3A_374 = vector.extract_strided_slice %get3A_3 {offsets = [6], sizes = [1], strides = [1]} : vector<16xf32> to vector<1xf32>
        %squeeze3A_375 = vector.extract %slice3A_374[0] : f32 from vector<1xf32>
        %le3A_376 = arith.constant 9.99999971E-10 : f32
        %le3A_377 = arith.cmpf ole, %squeeze3A_375, %le3A_376 : f32
        %gt3A_378 = arith.constant 1.000000e+00 : f32
        %gt3A_379 = arith.cmpf ogt, %squeeze3A_375, %gt3A_378 : f32
        %mul3A_380 = arith.mulf %squeeze3A_375, %add3A_135 : f32
        %jit3A_381 = arith.constant 0x7F800000 : f32
        %select_n3A_382 = arith.select %gt3A_379, %jit3A_381, %mul3A_380 : f32
        %jit3A_383 = arith.constant 0xFF800000 : f32
        %select_n3A_384 = arith.select %le3A_377, %jit3A_383, %select_n3A_382 : f32
        %broadcast_in_dim3A_385 = vector.broadcast %select_n3A_384 : f32 to vector<16xf32>
        %slice3A_386 = vector.extract_strided_slice %get3A_3 {offsets = [7], sizes = [1], strides = [1]} : vector<16xf32> to vector<1xf32>
        %squeeze3A_387 = vector.extract %slice3A_386[0] : f32 from vector<1xf32>
        %le3A_388 = arith.constant 9.99999971E-10 : f32
        %le3A_389 = arith.cmpf ole, %squeeze3A_387, %le3A_388 : f32
        %gt3A_390 = arith.constant 1.000000e+00 : f32
        %gt3A_391 = arith.cmpf ogt, %squeeze3A_387, %gt3A_390 : f32
        %mul3A_392 = arith.mulf %squeeze3A_387, %add3A_135 : f32
        %jit3A_393 = arith.constant 0x7F800000 : f32
        %select_n3A_394 = arith.select %gt3A_391, %jit3A_393, %mul3A_392 : f32
        %jit3A_395 = arith.constant 0xFF800000 : f32
        %select_n3A_396 = arith.select %le3A_389, %jit3A_395, %select_n3A_394 : f32
        %broadcast_in_dim3A_397 = vector.broadcast %select_n3A_396 : f32 to vector<16xf32>
        %slice3A_398 = vector.extract_strided_slice %get3A_3 {offsets = [8], sizes = [1], strides = [1]} : vector<16xf32> to vector<1xf32>
        %squeeze3A_399 = vector.extract %slice3A_398[0] : f32 from vector<1xf32>
        %le3A_400 = arith.constant 9.99999971E-10 : f32
        %le3A_401 = arith.cmpf ole, %squeeze3A_399, %le3A_400 : f32
        %gt3A_402 = arith.constant 1.000000e+00 : f32
        %gt3A_403 = arith.cmpf ogt, %squeeze3A_399, %gt3A_402 : f32
        %mul3A_404 = arith.mulf %squeeze3A_399, %add3A_135 : f32
        %jit3A_405 = arith.constant 0x7F800000 : f32
        %select_n3A_406 = arith.select %gt3A_403, %jit3A_405, %mul3A_404 : f32
        %jit3A_407 = arith.constant 0xFF800000 : f32
        %select_n3A_408 = arith.select %le3A_401, %jit3A_407, %select_n3A_406 : f32
        %broadcast_in_dim3A_409 = vector.broadcast %select_n3A_408 : f32 to vector<16xf32>
        %slice3A_410 = vector.extract_strided_slice %get3A_3 {offsets = [9], sizes = [1], strides = [1]} : vector<16xf32> to vector<1xf32>
        %squeeze3A_411 = vector.extract %slice3A_410[0] : f32 from vector<1xf32>
        %le3A_412 = arith.constant 9.99999971E-10 : f32
        %le3A_413 = arith.cmpf ole, %squeeze3A_411, %le3A_412 : f32
        %gt3A_414 = arith.constant 1.000000e+00 : f32
        %gt3A_415 = arith.cmpf ogt, %squeeze3A_411, %gt3A_414 : f32
        %mul3A_416 = arith.mulf %squeeze3A_411, %add3A_135 : f32
        %jit3A_417 = arith.constant 0x7F800000 : f32
        %select_n3A_418 = arith.select %gt3A_415, %jit3A_417, %mul3A_416 : f32
        %jit3A_419 = arith.constant 0xFF800000 : f32
        %select_n3A_420 = arith.select %le3A_413, %jit3A_419, %select_n3A_418 : f32
        %broadcast_in_dim3A_421 = vector.broadcast %select_n3A_420 : f32 to vector<16xf32>
        %slice3A_422 = vector.extract_strided_slice %get3A_3 {offsets = [10], sizes = [1], strides = [1]} : vector<16xf32> to vector<1xf32>
        %squeeze3A_423 = vector.extract %slice3A_422[0] : f32 from vector<1xf32>
        %le3A_424 = arith.constant 9.99999971E-10 : f32
        %le3A_425 = arith.cmpf ole, %squeeze3A_423, %le3A_424 : f32
        %gt3A_426 = arith.constant 1.000000e+00 : f32
        %gt3A_427 = arith.cmpf ogt, %squeeze3A_423, %gt3A_426 : f32
        %mul3A_428 = arith.mulf %squeeze3A_423, %add3A_135 : f32
        %jit3A_429 = arith.constant 0x7F800000 : f32
        %select_n3A_430 = arith.select %gt3A_427, %jit3A_429, %mul3A_428 : f32
        %jit3A_431 = arith.constant 0xFF800000 : f32
        %select_n3A_432 = arith.select %le3A_425, %jit3A_431, %select_n3A_430 : f32
        %broadcast_in_dim3A_433 = vector.broadcast %select_n3A_432 : f32 to vector<16xf32>
        %slice3A_434 = vector.extract_strided_slice %get3A_3 {offsets = [11], sizes = [1], strides = [1]} : vector<16xf32> to vector<1xf32>
        %squeeze3A_435 = vector.extract %slice3A_434[0] : f32 from vector<1xf32>
        %le3A_436 = arith.constant 9.99999971E-10 : f32
        %le3A_437 = arith.cmpf ole, %squeeze3A_435, %le3A_436 : f32
        %gt3A_438 = arith.constant 1.000000e+00 : f32
        %gt3A_439 = arith.cmpf ogt, %squeeze3A_435, %gt3A_438 : f32
        %mul3A_440 = arith.mulf %squeeze3A_435, %add3A_135 : f32
        %jit3A_441 = arith.constant 0x7F800000 : f32
        %select_n3A_442 = arith.select %gt3A_439, %jit3A_441, %mul3A_440 : f32
        %jit3A_443 = arith.constant 0xFF800000 : f32
        %select_n3A_444 = arith.select %le3A_437, %jit3A_443, %select_n3A_442 : f32
        %broadcast_in_dim3A_445 = vector.broadcast %select_n3A_444 : f32 to vector<16xf32>
        %slice3A_446 = vector.extract_strided_slice %get3A_3 {offsets = [12], sizes = [1], strides = [1]} : vector<16xf32> to vector<1xf32>
        %squeeze3A_447 = vector.extract %slice3A_446[0] : f32 from vector<1xf32>
        %le3A_448 = arith.constant 9.99999971E-10 : f32
        %le3A_449 = arith.cmpf ole, %squeeze3A_447, %le3A_448 : f32
        %gt3A_450 = arith.constant 1.000000e+00 : f32
        %gt3A_451 = arith.cmpf ogt, %squeeze3A_447, %gt3A_450 : f32
        %mul3A_452 = arith.mulf %squeeze3A_447, %add3A_135 : f32
        %jit3A_453 = arith.constant 0x7F800000 : f32
        %select_n3A_454 = arith.select %gt3A_451, %jit3A_453, %mul3A_452 : f32
        %jit3A_455 = arith.constant 0xFF800000 : f32
        %select_n3A_456 = arith.select %le3A_449, %jit3A_455, %select_n3A_454 : f32
        %broadcast_in_dim3A_457 = vector.broadcast %select_n3A_456 : f32 to vector<16xf32>
        %slice3A_458 = vector.extract_strided_slice %get3A_3 {offsets = [13], sizes = [1], strides = [1]} : vector<16xf32> to vector<1xf32>
        %squeeze3A_459 = vector.extract %slice3A_458[0] : f32 from vector<1xf32>
        %le3A_460 = arith.constant 9.99999971E-10 : f32
        %le3A_461 = arith.cmpf ole, %squeeze3A_459, %le3A_460 : f32
        %gt3A_462 = arith.constant 1.000000e+00 : f32
        %gt3A_463 = arith.cmpf ogt, %squeeze3A_459, %gt3A_462 : f32
        %mul3A_464 = arith.mulf %squeeze3A_459, %add3A_135 : f32
        %jit3A_465 = arith.constant 0x7F800000 : f32
        %select_n3A_466 = arith.select %gt3A_463, %jit3A_465, %mul3A_464 : f32
        %jit3A_467 = arith.constant 0xFF800000 : f32
        %select_n3A_468 = arith.select %le3A_461, %jit3A_467, %select_n3A_466 : f32
        %broadcast_in_dim3A_469 = vector.broadcast %select_n3A_468 : f32 to vector<16xf32>
        %parallel_loop3A_470 = arith.constant 0 : i32
        %parallel_loop3A_471 = arith.constant 62 : i32
        %parallel_loop3A_472 = arith.constant 1 : i32
        "tpu.trace_start"() <{level = 10 : i32, message = "passC"}> : () -> ()
        scf.for %parallel_loop3A_523 = %parallel_loop3A_470 to %parallel_loop3A_471 step %parallel_loop3A_472  : i32 {
          %parallel_loop3A_524 = arith.constant 16 : i32
          %parallel_loop3A_525 = arith.muli %parallel_loop3A_523, %parallel_loop3A_524 : i32
          %parallel_loop3A_526 = arith.addi %mul3A_71, %parallel_loop3A_525 : i32
          %parallel_loop3A_527 = arith.index_cast %parallel_loop3A_526 : i32 to index
          %parallel_loop3A_528 = tpu.vector_load %arg6[%parallel_loop3A_527] {strides = array<i32>} : memref<16000xf32, #tpu.memory_space<vmem>>, vector<16xf32>,
          %parallel_loop3A_529 = arith.cmpf oge, %parallel_loop3A_528, %broadcast_in_dim3A_145 : vector<16xf32>
          %parallel_loop3A_530 = arith.select %parallel_loop3A_529, %broadcast_in_dim3A_8, %broadcast_in_dim3A : vector<16xi1>, vector<16xf32>
          %parallel_loop3A_531 = arith.cmpf oge, %parallel_loop3A_528, %broadcast_in_dim3A_157 : vector<16xf32>
          %parallel_loop3A_532 = arith.select %parallel_loop3A_531, %broadcast_in_dim3A_11, %parallel_loop3A_530 : vector<16xi1>, vector<16xf32>
          %parallel_loop3A_533 = arith.cmpf oge, %parallel_loop3A_528, %broadcast_in_dim3A_169 : vector<16xf32>
          %parallel_loop3A_534 = arith.select %parallel_loop3A_533, %broadcast_in_dim3A_14, %parallel_loop3A_532 : vector<16xi1>, vector<16xf32>
          %parallel_loop3A_535 = arith.cmpf oge, %parallel_loop3A_528, %broadcast_in_dim3A_181 : vector<16xf32>
          %parallel_loop3A_536 = arith.select %parallel_loop3A_535, %broadcast_in_dim3A_17, %parallel_loop3A_534 : vector<16xi1>, vector<16xf32>
          %parallel_loop3A_537 = arith.cmpf oge, %parallel_loop3A_528, %broadcast_in_dim3A_193 : vector<16xf32>
          %parallel_loop3A_538 = arith.select %parallel_loop3A_537, %broadcast_in_dim3A_20, %parallel_loop3A_536 : vector<16xi1>, vector<16xf32>
          %parallel_loop3A_539 = arith.cmpf oge, %parallel_loop3A_528, %broadcast_in_dim3A_205 : vector<16xf32>
          %parallel_loop3A_540 = arith.select %parallel_loop3A_539, %broadcast_in_dim3A_23, %parallel_loop3A_538 : vector<16xi1>, vector<16xf32>
          %parallel_loop3A_541 = arith.cmpf oge, %parallel_loop3A_528, %broadcast_in_dim3A_217 : vector<16xf32>
          %parallel_loop3A_542 = arith.select %parallel_loop3A_541, %broadcast_in_dim3A_26, %parallel_loop3A_540 : vector<16xi1>, vector<16xf32>
          %parallel_loop3A_543 = arith.cmpf oge, %parallel_loop3A_528, %broadcast_in_dim3A_229 : vector<16xf32>
          %parallel_loop3A_544 = arith.select %parallel_loop3A_543, %broadcast_in_dim3A_29, %parallel_loop3A_542 : vector<16xi1>, vector<16xf32>
          %parallel_loop3A_545 = arith.cmpf oge, %parallel_loop3A_528, %broadcast_in_dim3A_241 : vector<16xf32>
          %parallel_loop3A_546 = arith.select %parallel_loop3A_545, %broadcast_in_dim3A_32, %parallel_loop3A_544 : vector<16xi1>, vector<16xf32>
          %parallel_loop3A_547 = arith.cmpf oge, %parallel_loop3A_528, %broadcast_in_dim3A_253 : vector<16xf32>
          %parallel_loop3A_548 = arith.select %parallel_loop3A_547, %broadcast_in_dim3A_35, %parallel_loop3A_546 : vector<16xi1>, vector<16xf32>
          %parallel_loop3A_549 = arith.cmpf oge, %parallel_loop3A_528, %broadcast_in_dim3A_265 : vector<16xf32>
          %parallel_loop3A_550 = arith.select %parallel_loop3A_549, %broadcast_in_dim3A_38, %parallel_loop3A_548 : vector<16xi1>, vector<16xf32>
          %parallel_loop3A_551 = arith.cmpf oge, %parallel_loop3A_528, %broadcast_in_dim3A_277 : vector<16xf32>
          %parallel_loop3A_552 = arith.select %parallel_loop3A_551, %broadcast_in_dim3A_41, %parallel_loop3A_550 : vector<16xi1>, vector<16xf32>
          %parallel_loop3A_553 = arith.cmpf oge, %parallel_loop3A_528, %broadcast_in_dim3A_289 : vector<16xf32>
          %parallel_loop3A_554 = arith.select %parallel_loop3A_553, %broadcast_in_dim3A_44, %parallel_loop3A_552 : vector<16xi1>, vector<16xf32>
          %parallel_loop3A_555 = arith.cmpf oge, %parallel_loop3A_528, %broadcast_in_dim3A_301 : vector<16xf32>
          %parallel_loop3A_556 = arith.select %parallel_loop3A_555, %broadcast_in_dim3A_47, %parallel_loop3A_554 : vector<16xi1>, vector<16xf32>
          %parallel_loop3A_557 = arith.index_cast %parallel_loop3A_526 : i32 to index
          %parallel_loop3A_558 = tpu.vector_load %arg7[%parallel_loop3A_557] {strides = array<i32>} : memref<16000xf32, #tpu.memory_space<vmem>>, vector<16xf32>,
          tpu.vector_store %arg7[%parallel_loop3A_557], %parallel_loop3A_556 {strides = array<i32>} : memref<16000xf32, #tpu.memory_space<vmem>>, vector<16xf32>,
        } {sc.loop_unroll_factor = 8 : i64, sc.parallel_access}
        %add3A_473 = arith.constant 1008 : i32
        %add3A_474 = arith.addi %mul3A_71, %add3A_473 : i32
        %parallel_loop3A_475 = arith.constant 0 : i32
        %parallel_loop3A_476 = arith.constant 62 : i32
        %parallel_loop3A_477 = arith.constant 1 : i32
        scf.for %parallel_loop3A_523 = %parallel_loop3A_475 to %parallel_loop3A_476 step %parallel_loop3A_477  : i32 {
          %parallel_loop3A_524 = arith.constant 16 : i32
          %parallel_loop3A_525 = arith.muli %parallel_loop3A_523, %parallel_loop3A_524 : i32
          %parallel_loop3A_526 = arith.addi %add3A_474, %parallel_loop3A_525 : i32
          %parallel_loop3A_527 = arith.index_cast %parallel_loop3A_526 : i32 to index
          %parallel_loop3A_528 = tpu.vector_load %arg6[%parallel_loop3A_527] {strides = array<i32>} : memref<16000xf32, #tpu.memory_space<vmem>>, vector<16xf32>,
          %parallel_loop3A_529 = arith.cmpf oge, %parallel_loop3A_528, %broadcast_in_dim3A_313 : vector<16xf32>
          %parallel_loop3A_530 = arith.select %parallel_loop3A_529, %broadcast_in_dim3A_8, %broadcast_in_dim3A : vector<16xi1>, vector<16xf32>
          %parallel_loop3A_531 = arith.cmpf oge, %parallel_loop3A_528, %broadcast_in_dim3A_325 : vector<16xf32>
          %parallel_loop3A_532 = arith.select %parallel_loop3A_531, %broadcast_in_dim3A_11, %parallel_loop3A_530 : vector<16xi1>, vector<16xf32>
          %parallel_loop3A_533 = arith.cmpf oge, %parallel_loop3A_528, %broadcast_in_dim3A_337 : vector<16xf32>
          %parallel_loop3A_534 = arith.select %parallel_loop3A_533, %broadcast_in_dim3A_14, %parallel_loop3A_532 : vector<16xi1>, vector<16xf32>
          %parallel_loop3A_535 = arith.cmpf oge, %parallel_loop3A_528, %broadcast_in_dim3A_349 : vector<16xf32>
          %parallel_loop3A_536 = arith.select %parallel_loop3A_535, %broadcast_in_dim3A_17, %parallel_loop3A_534 : vector<16xi1>, vector<16xf32>
          %parallel_loop3A_537 = arith.cmpf oge, %parallel_loop3A_528, %broadcast_in_dim3A_361 : vector<16xf32>
          %parallel_loop3A_538 = arith.select %parallel_loop3A_537, %broadcast_in_dim3A_20, %parallel_loop3A_536 : vector<16xi1>, vector<16xf32>
          %parallel_loop3A_539 = arith.cmpf oge, %parallel_loop3A_528, %broadcast_in_dim3A_373 : vector<16xf32>
          %parallel_loop3A_540 = arith.select %parallel_loop3A_539, %broadcast_in_dim3A_23, %parallel_loop3A_538 : vector<16xi1>, vector<16xf32>
          %parallel_loop3A_541 = arith.cmpf oge, %parallel_loop3A_528, %broadcast_in_dim3A_385 : vector<16xf32>
          %parallel_loop3A_542 = arith.select %parallel_loop3A_541, %broadcast_in_dim3A_26, %parallel_loop3A_540 : vector<16xi1>, vector<16xf32>
          %parallel_loop3A_543 = arith.cmpf oge, %parallel_loop3A_528, %broadcast_in_dim3A_397 : vector<16xf32>
          %parallel_loop3A_544 = arith.select %parallel_loop3A_543, %broadcast_in_dim3A_29, %parallel_loop3A_542 : vector<16xi1>, vector<16xf32>
          %parallel_loop3A_545 = arith.cmpf oge, %parallel_loop3A_528, %broadcast_in_dim3A_409 : vector<16xf32>
          %parallel_loop3A_546 = arith.select %parallel_loop3A_545, %broadcast_in_dim3A_32, %parallel_loop3A_544 : vector<16xi1>, vector<16xf32>
          %parallel_loop3A_547 = arith.cmpf oge, %parallel_loop3A_528, %broadcast_in_dim3A_421 : vector<16xf32>
          %parallel_loop3A_548 = arith.select %parallel_loop3A_547, %broadcast_in_dim3A_35, %parallel_loop3A_546 : vector<16xi1>, vector<16xf32>
          %parallel_loop3A_549 = arith.cmpf oge, %parallel_loop3A_528, %broadcast_in_dim3A_433 : vector<16xf32>
          %parallel_loop3A_550 = arith.select %parallel_loop3A_549, %broadcast_in_dim3A_38, %parallel_loop3A_548 : vector<16xi1>, vector<16xf32>
          %parallel_loop3A_551 = arith.cmpf oge, %parallel_loop3A_528, %broadcast_in_dim3A_445 : vector<16xf32>
          %parallel_loop3A_552 = arith.select %parallel_loop3A_551, %broadcast_in_dim3A_41, %parallel_loop3A_550 : vector<16xi1>, vector<16xf32>
          %parallel_loop3A_553 = arith.cmpf oge, %parallel_loop3A_528, %broadcast_in_dim3A_457 : vector<16xf32>
          %parallel_loop3A_554 = arith.select %parallel_loop3A_553, %broadcast_in_dim3A_44, %parallel_loop3A_552 : vector<16xi1>, vector<16xf32>
          %parallel_loop3A_555 = arith.cmpf oge, %parallel_loop3A_528, %broadcast_in_dim3A_469 : vector<16xf32>
          %parallel_loop3A_556 = arith.select %parallel_loop3A_555, %broadcast_in_dim3A_47, %parallel_loop3A_554 : vector<16xi1>, vector<16xf32>
          %parallel_loop3A_557 = arith.index_cast %parallel_loop3A_526 : i32 to index
          %parallel_loop3A_558 = tpu.vector_load %arg7[%parallel_loop3A_557] {strides = array<i32>} : memref<16000xf32, #tpu.memory_space<vmem>>, vector<16xf32>,
          tpu.vector_store %arg7[%parallel_loop3A_557], %parallel_loop3A_556 {strides = array<i32>} : memref<16000xf32, #tpu.memory_space<vmem>>, vector<16xf32>,
        } {sc.loop_unroll_factor = 8 : i64, sc.parallel_access}
        "tpu.trace_stop"() : () -> ()
        %select_n3A_478 = arith.select %lt3A_2, %broadcast_in_dim3A_145, %broadcast_in_dim3A_313 : vector<16xi1>, vector<16xf32>
        %select_n3A_479 = arith.select %lt3A_2, %broadcast_in_dim3A_157, %broadcast_in_dim3A_325 : vector<16xi1>, vector<16xf32>
        %select_n3A_480 = arith.select %lt3A_2, %broadcast_in_dim3A_169, %broadcast_in_dim3A_337 : vector<16xi1>, vector<16xf32>
        %select_n3A_481 = arith.select %lt3A_2, %broadcast_in_dim3A_181, %broadcast_in_dim3A_349 : vector<16xi1>, vector<16xf32>
        %select_n3A_482 = arith.select %lt3A_2, %broadcast_in_dim3A_193, %broadcast_in_dim3A_361 : vector<16xi1>, vector<16xf32>
        %select_n3A_483 = arith.select %lt3A_2, %broadcast_in_dim3A_205, %broadcast_in_dim3A_373 : vector<16xi1>, vector<16xf32>
        %select_n3A_484 = arith.select %lt3A_2, %broadcast_in_dim3A_217, %broadcast_in_dim3A_385 : vector<16xi1>, vector<16xf32>
        %select_n3A_485 = arith.select %lt3A_2, %broadcast_in_dim3A_229, %broadcast_in_dim3A_397 : vector<16xi1>, vector<16xf32>
        %select_n3A_486 = arith.select %lt3A_2, %broadcast_in_dim3A_241, %broadcast_in_dim3A_409 : vector<16xi1>, vector<16xf32>
        %select_n3A_487 = arith.select %lt3A_2, %broadcast_in_dim3A_253, %broadcast_in_dim3A_421 : vector<16xi1>, vector<16xf32>
        %select_n3A_488 = arith.select %lt3A_2, %broadcast_in_dim3A_265, %broadcast_in_dim3A_433 : vector<16xi1>, vector<16xf32>
        %select_n3A_489 = arith.select %lt3A_2, %broadcast_in_dim3A_277, %broadcast_in_dim3A_445 : vector<16xi1>, vector<16xf32>
        %select_n3A_490 = arith.select %lt3A_2, %broadcast_in_dim3A_289, %broadcast_in_dim3A_457 : vector<16xi1>, vector<16xf32>
        %select_n3A_491 = arith.select %lt3A_2, %broadcast_in_dim3A_301, %broadcast_in_dim3A_469 : vector<16xi1>, vector<16xf32>
        %ge3A = arith.cmpf oge, %exp3A, %select_n3A_478 : vector<16xf32>
        %select_n3A_492 = arith.select %ge3A, %broadcast_in_dim3A_8, %broadcast_in_dim3A : vector<16xi1>, vector<16xf32>
        %ge3A_493 = arith.cmpf oge, %exp3A, %select_n3A_479 : vector<16xf32>
        %select_n3A_494 = arith.select %ge3A_493, %broadcast_in_dim3A_11, %select_n3A_492 : vector<16xi1>, vector<16xf32>
        %ge3A_495 = arith.cmpf oge, %exp3A, %select_n3A_480 : vector<16xf32>
        %select_n3A_496 = arith.select %ge3A_495, %broadcast_in_dim3A_14, %select_n3A_494 : vector<16xi1>, vector<16xf32>
        %ge3A_497 = arith.cmpf oge, %exp3A, %select_n3A_481 : vector<16xf32>
        %select_n3A_498 = arith.select %ge3A_497, %broadcast_in_dim3A_17, %select_n3A_496 : vector<16xi1>, vector<16xf32>
        %ge3A_499 = arith.cmpf oge, %exp3A, %select_n3A_482 : vector<16xf32>
        %select_n3A_500 = arith.select %ge3A_499, %broadcast_in_dim3A_20, %select_n3A_498 : vector<16xi1>, vector<16xf32>
        %ge3A_501 = arith.cmpf oge, %exp3A, %select_n3A_483 : vector<16xf32>
        %select_n3A_502 = arith.select %ge3A_501, %broadcast_in_dim3A_23, %select_n3A_500 : vector<16xi1>, vector<16xf32>
        %ge3A_503 = arith.cmpf oge, %exp3A, %select_n3A_484 : vector<16xf32>
        %select_n3A_504 = arith.select %ge3A_503, %broadcast_in_dim3A_26, %select_n3A_502 : vector<16xi1>, vector<16xf32>
        %ge3A_505 = arith.cmpf oge, %exp3A, %select_n3A_485 : vector<16xf32>
        %select_n3A_506 = arith.select %ge3A_505, %broadcast_in_dim3A_29, %select_n3A_504 : vector<16xi1>, vector<16xf32>
        %ge3A_507 = arith.cmpf oge, %exp3A, %select_n3A_486 : vector<16xf32>
        %select_n3A_508 = arith.select %ge3A_507, %broadcast_in_dim3A_32, %select_n3A_506 : vector<16xi1>, vector<16xf32>
        %ge3A_509 = arith.cmpf oge, %exp3A, %select_n3A_487 : vector<16xf32>
        %select_n3A_510 = arith.select %ge3A_509, %broadcast_in_dim3A_35, %select_n3A_508 : vector<16xi1>, vector<16xf32>
        %ge3A_511 = arith.cmpf oge, %exp3A, %select_n3A_488 : vector<16xf32>
        %select_n3A_512 = arith.select %ge3A_511, %broadcast_in_dim3A_38, %select_n3A_510 : vector<16xi1>, vector<16xf32>
        %ge3A_513 = arith.cmpf oge, %exp3A, %select_n3A_489 : vector<16xf32>
        %select_n3A_514 = arith.select %ge3A_513, %broadcast_in_dim3A_41, %select_n3A_512 : vector<16xi1>, vector<16xf32>
        %ge3A_515 = arith.cmpf oge, %exp3A, %select_n3A_490 : vector<16xf32>
        %select_n3A_516 = arith.select %ge3A_515, %broadcast_in_dim3A_44, %select_n3A_514 : vector<16xi1>, vector<16xf32>
        %ge3A_517 = arith.cmpf oge, %exp3A, %select_n3A_491 : vector<16xf32>
        %select_n3A_518 = arith.select %ge3A_517, %broadcast_in_dim3A_47, %select_n3A_516 : vector<16xi1>, vector<16xf32>
        %add3A_519 = arith.constant 992 : i32
        %add3A_520 = arith.addi %mul3A_71, %add3A_519 : i32
        %swap3A_521 = arith.index_cast %add3A_520 : i32 to index
        %swap3A_522 = tpu.vector_load %arg7[%swap3A_521] {strides = array<i32>} : memref<16000xf32, #tpu.memory_space<vmem>>, vector<16xf32>,
        tpu.vector_store %arg7[%swap3A_521], %select_n3A_518 {strides = array<i32>} : memref<16000xf32, #tpu.memory_space<vmem>>, vector<16xf32>,
      }
      %scan3A_68 = arith.constant 8 : i32
      "tpu.region"() ({
        %run_scoped3A = tpu.sem_alloc : memref<!tpu.dma_semaphore, #tpu.memory_space<semaphore_mem>>
        %dma_start3A = tpu.memref_slice %arg5[%mul3A_62] : memref<2048000xf32, #tpu.memory_space<hbm>> -> memref<16000xf32, #tpu.memory_space<hbm>>
        %dma_start3A_69 = tpu.memref_slice %arg5[%mul3A_62] : memref<2048000xf32, #tpu.memory_space<hbm>> -> memref<16000xf32, #tpu.memory_space<hbm>>
        tpu.enqueue_dma source(%arg7 : memref<16000xf32, #tpu.memory_space<vmem>>) target(%dma_start3A_69 : memref<16000xf32, #tpu.memory_space<hbm>>) target_semaphore(%run_scoped3A : memref<!tpu.dma_semaphore, #tpu.memory_space<semaphore_mem>>)
        %dma_wait3A = tpu.memref_slice %arg5[%mul3A_62] : memref<2048000xf32, #tpu.memory_space<hbm>> -> memref<16000xf32, #tpu.memory_space<hbm>>
        %dma_wait3A_70 = tpu.memref_slice %arg5[%mul3A_62] : memref<2048000xf32, #tpu.memory_space<hbm>> -> memref<16000xf32, #tpu.memory_space<hbm>>
        tpu.wait_dma2 semaphore(%run_scoped3A : memref<!tpu.dma_semaphore, #tpu.memory_space<semaphore_mem>>) src(%arg7 : memref<16000xf32, #tpu.memory_space<vmem>>) dst(%dma_wait3A_70 : memref<16000xf32, #tpu.memory_space<hbm>>)
        tpu.yield
      }) : () -> ()
    }
    %scan3A_56 = arith.constant 4 : i32
    return
  }
}

module attributes {stable_mosaic.version = 14 : i64} {
  func.func @_tc_body(%arg0: i32, %arg1: memref<256x1000xf32, #tpu.memory_space<vmem>>, %arg2: memref<14xf32, #tpu.memory_space<smem>>, %arg3: memref<15xf32, #tpu.memory_space<smem>>, %arg4: memref<256x1000xf32, #tpu.memory_space<vmem>>) attributes {dimension_semantics = [#tpu.dimension_semantics<arbitrary>], iteration_bounds = array<i64: 56>, scalar_prefetch = 0 : i64, scratch_operands = 0 : i64, tpu.core_type = #tpu.core_type<tc>, window_params = [{transform_indices = @transform_0, window_bounds = array<i64: 256, 1000>}, {transform_indices = @transform_1, window_bounds = array<i64: 14>}, {transform_indices = @transform_2, window_bounds = array<i64: 15>}, {transform_indices = @transform_3, window_bounds = array<i64: 256, 1000>}]} {
    %get3A = arith.constant 0 : index
    %get3A_0 = arith.constant 0 : index
    %get3A_1 = vector.load %arg1[%get3A, %get3A_0] : memref<256x1000xf32, #tpu.memory_space<vmem>>, vector<256x1000xf32>
    %reduce_max3A = arith.constant dense<0xFF800000> : vector<256xf32>
    %reduce_max3A_2 = vector.multi_reduction <maximumf>, %get3A_1, %reduce_max3A [1] : vector<256x1000xf32> to vector<256xf32>
    %broadcast_in_dim3A = vector.shape_cast %reduce_max3A_2 : vector<256xf32> to vector<256x1xf32>
    %sub3A = vector.broadcast %broadcast_in_dim3A : vector<256x1xf32> to vector<256x1000xf32>
    %sub3A_3 = arith.subf %get3A_1, %sub3A : vector<256x1000xf32>
    %exp3A = math.exp %sub3A_3 : vector<256x1000xf32>
    %reduce_sum3A = arith.constant dense<0.000000e+00> : vector<256xf32>
    %reduce_sum3A_4 = vector.multi_reduction <add>, %exp3A, %reduce_sum3A [1] : vector<256x1000xf32> to vector<256xf32>
    %broadcast_in_dim3A_5 = vector.shape_cast %reduce_sum3A_4 : vector<256xf32> to vector<256x1xf32>
    %div3A = vector.broadcast %broadcast_in_dim3A_5 : vector<256x1xf32> to vector<256x1000xf32>
    %div3A_6 = arith.divf %exp3A, %div3A : vector<256x1000xf32>
    %jit3A = arith.constant 9.99999971E-10 : f32
    %jit3A_7 = arith.constant 1.000000e+00 : f32
    %max3A = vector.broadcast %jit3A : f32 to vector<256x1000xf32>
    %max3A_8 = arith.maximumf %max3A, %div3A_6 : vector<256x1000xf32>
    %min3A = vector.broadcast %jit3A_7 : f32 to vector<256x1000xf32>
    %min3A_9 = arith.minimumf %min3A, %max3A_8 : vector<256x1000xf32>
    %get3A_10 = arith.constant 0 : index
    %get3A_11 = memref.load %arg3[%get3A_10] : memref<15xf32, #tpu.memory_space<smem>>
    %broadcast_in_dim3A_12 = vector.broadcast %get3A_11 : f32 to vector<256x1000xf32>
    %get3A_13 = arith.constant 0 : index
    %get3A_14 = memref.load %arg2[%get3A_13] : memref<14xf32, #tpu.memory_space<smem>>
    %ge3A = vector.broadcast %get3A_14 : f32 to vector<256x1000xf32>
    %ge3A_15 = arith.cmpf oge, %min3A_9, %ge3A : vector<256x1000xf32>
    %get3A_16 = arith.constant 1 : index
    %get3A_17 = memref.load %arg3[%get3A_16] : memref<15xf32, #tpu.memory_space<smem>>
    %jit3A_18 = arith.constant 0.000000e+00 : f32
    %broadcast_in_dim3A_19 = vector.broadcast %get3A_17 : f32 to vector<256x1000xf32>
    %broadcast_in_dim3A_20 = vector.broadcast %jit3A_18 : f32 to vector<256x1000xf32>
    %select_n3A = arith.select %ge3A_15, %broadcast_in_dim3A_19, %broadcast_in_dim3A_20 : vector<256x1000xi1>, vector<256x1000xf32>
    %add3A = arith.addf %broadcast_in_dim3A_12, %select_n3A : vector<256x1000xf32>
    %get3A_21 = arith.constant 1 : index
    %get3A_22 = memref.load %arg2[%get3A_21] : memref<14xf32, #tpu.memory_space<smem>>
    %ge3A_23 = vector.broadcast %get3A_22 : f32 to vector<256x1000xf32>
    %ge3A_24 = arith.cmpf oge, %min3A_9, %ge3A_23 : vector<256x1000xf32>
    %get3A_25 = arith.constant 2 : index
    %get3A_26 = memref.load %arg3[%get3A_25] : memref<15xf32, #tpu.memory_space<smem>>
    %jit3A_27 = arith.constant 0.000000e+00 : f32
    %broadcast_in_dim3A_28 = vector.broadcast %get3A_26 : f32 to vector<256x1000xf32>
    %broadcast_in_dim3A_29 = vector.broadcast %jit3A_27 : f32 to vector<256x1000xf32>
    %select_n3A_30 = arith.select %ge3A_24, %broadcast_in_dim3A_28, %broadcast_in_dim3A_29 : vector<256x1000xi1>, vector<256x1000xf32>
    %add3A_31 = arith.addf %add3A, %select_n3A_30 : vector<256x1000xf32>
    %get3A_32 = arith.constant 2 : index
    %get3A_33 = memref.load %arg2[%get3A_32] : memref<14xf32, #tpu.memory_space<smem>>
    %ge3A_34 = vector.broadcast %get3A_33 : f32 to vector<256x1000xf32>
    %ge3A_35 = arith.cmpf oge, %min3A_9, %ge3A_34 : vector<256x1000xf32>
    %get3A_36 = arith.constant 3 : index
    %get3A_37 = memref.load %arg3[%get3A_36] : memref<15xf32, #tpu.memory_space<smem>>
    %jit3A_38 = arith.constant 0.000000e+00 : f32
    %broadcast_in_dim3A_39 = vector.broadcast %get3A_37 : f32 to vector<256x1000xf32>
    %broadcast_in_dim3A_40 = vector.broadcast %jit3A_38 : f32 to vector<256x1000xf32>
    %select_n3A_41 = arith.select %ge3A_35, %broadcast_in_dim3A_39, %broadcast_in_dim3A_40 : vector<256x1000xi1>, vector<256x1000xf32>
    %add3A_42 = arith.addf %add3A_31, %select_n3A_41 : vector<256x1000xf32>
    %get3A_43 = arith.constant 3 : index
    %get3A_44 = memref.load %arg2[%get3A_43] : memref<14xf32, #tpu.memory_space<smem>>
    %ge3A_45 = vector.broadcast %get3A_44 : f32 to vector<256x1000xf32>
    %ge3A_46 = arith.cmpf oge, %min3A_9, %ge3A_45 : vector<256x1000xf32>
    %get3A_47 = arith.constant 4 : index
    %get3A_48 = memref.load %arg3[%get3A_47] : memref<15xf32, #tpu.memory_space<smem>>
    %jit3A_49 = arith.constant 0.000000e+00 : f32
    %broadcast_in_dim3A_50 = vector.broadcast %get3A_48 : f32 to vector<256x1000xf32>
    %broadcast_in_dim3A_51 = vector.broadcast %jit3A_49 : f32 to vector<256x1000xf32>
    %select_n3A_52 = arith.select %ge3A_46, %broadcast_in_dim3A_50, %broadcast_in_dim3A_51 : vector<256x1000xi1>, vector<256x1000xf32>
    %add3A_53 = arith.addf %add3A_42, %select_n3A_52 : vector<256x1000xf32>
    %get3A_54 = arith.constant 4 : index
    %get3A_55 = memref.load %arg2[%get3A_54] : memref<14xf32, #tpu.memory_space<smem>>
    %ge3A_56 = vector.broadcast %get3A_55 : f32 to vector<256x1000xf32>
    %ge3A_57 = arith.cmpf oge, %min3A_9, %ge3A_56 : vector<256x1000xf32>
    %get3A_58 = arith.constant 5 : index
    %get3A_59 = memref.load %arg3[%get3A_58] : memref<15xf32, #tpu.memory_space<smem>>
    %jit3A_60 = arith.constant 0.000000e+00 : f32
    %broadcast_in_dim3A_61 = vector.broadcast %get3A_59 : f32 to vector<256x1000xf32>
    %broadcast_in_dim3A_62 = vector.broadcast %jit3A_60 : f32 to vector<256x1000xf32>
    %select_n3A_63 = arith.select %ge3A_57, %broadcast_in_dim3A_61, %broadcast_in_dim3A_62 : vector<256x1000xi1>, vector<256x1000xf32>
    %add3A_64 = arith.addf %add3A_53, %select_n3A_63 : vector<256x1000xf32>
    %get3A_65 = arith.constant 5 : index
    %get3A_66 = memref.load %arg2[%get3A_65] : memref<14xf32, #tpu.memory_space<smem>>
    %ge3A_67 = vector.broadcast %get3A_66 : f32 to vector<256x1000xf32>
    %ge3A_68 = arith.cmpf oge, %min3A_9, %ge3A_67 : vector<256x1000xf32>
    %get3A_69 = arith.constant 6 : index
    %get3A_70 = memref.load %arg3[%get3A_69] : memref<15xf32, #tpu.memory_space<smem>>
    %jit3A_71 = arith.constant 0.000000e+00 : f32
    %broadcast_in_dim3A_72 = vector.broadcast %get3A_70 : f32 to vector<256x1000xf32>
    %broadcast_in_dim3A_73 = vector.broadcast %jit3A_71 : f32 to vector<256x1000xf32>
    %select_n3A_74 = arith.select %ge3A_68, %broadcast_in_dim3A_72, %broadcast_in_dim3A_73 : vector<256x1000xi1>, vector<256x1000xf32>
    %add3A_75 = arith.addf %add3A_64, %select_n3A_74 : vector<256x1000xf32>
    %get3A_76 = arith.constant 6 : index
    %get3A_77 = memref.load %arg2[%get3A_76] : memref<14xf32, #tpu.memory_space<smem>>
    %ge3A_78 = vector.broadcast %get3A_77 : f32 to vector<256x1000xf32>
    %ge3A_79 = arith.cmpf oge, %min3A_9, %ge3A_78 : vector<256x1000xf32>
    %get3A_80 = arith.constant 7 : index
    %get3A_81 = memref.load %arg3[%get3A_80] : memref<15xf32, #tpu.memory_space<smem>>
    %jit3A_82 = arith.constant 0.000000e+00 : f32
    %broadcast_in_dim3A_83 = vector.broadcast %get3A_81 : f32 to vector<256x1000xf32>
    %broadcast_in_dim3A_84 = vector.broadcast %jit3A_82 : f32 to vector<256x1000xf32>
    %select_n3A_85 = arith.select %ge3A_79, %broadcast_in_dim3A_83, %broadcast_in_dim3A_84 : vector<256x1000xi1>, vector<256x1000xf32>
    %add3A_86 = arith.addf %add3A_75, %select_n3A_85 : vector<256x1000xf32>
    %get3A_87 = arith.constant 7 : index
    %get3A_88 = memref.load %arg2[%get3A_87] : memref<14xf32, #tpu.memory_space<smem>>
    %ge3A_89 = vector.broadcast %get3A_88 : f32 to vector<256x1000xf32>
    %ge3A_90 = arith.cmpf oge, %min3A_9, %ge3A_89 : vector<256x1000xf32>
    %get3A_91 = arith.constant 8 : index
    %get3A_92 = memref.load %arg3[%get3A_91] : memref<15xf32, #tpu.memory_space<smem>>
    %jit3A_93 = arith.constant 0.000000e+00 : f32
    %broadcast_in_dim3A_94 = vector.broadcast %get3A_92 : f32 to vector<256x1000xf32>
    %broadcast_in_dim3A_95 = vector.broadcast %jit3A_93 : f32 to vector<256x1000xf32>
    %select_n3A_96 = arith.select %ge3A_90, %broadcast_in_dim3A_94, %broadcast_in_dim3A_95 : vector<256x1000xi1>, vector<256x1000xf32>
    %add3A_97 = arith.addf %add3A_86, %select_n3A_96 : vector<256x1000xf32>
    %get3A_98 = arith.constant 8 : index
    %get3A_99 = memref.load %arg2[%get3A_98] : memref<14xf32, #tpu.memory_space<smem>>
    %ge3A_100 = vector.broadcast %get3A_99 : f32 to vector<256x1000xf32>
    %ge3A_101 = arith.cmpf oge, %min3A_9, %ge3A_100 : vector<256x1000xf32>
    %get3A_102 = arith.constant 9 : index
    %get3A_103 = memref.load %arg3[%get3A_102] : memref<15xf32, #tpu.memory_space<smem>>
    %jit3A_104 = arith.constant 0.000000e+00 : f32
    %broadcast_in_dim3A_105 = vector.broadcast %get3A_103 : f32 to vector<256x1000xf32>
    %broadcast_in_dim3A_106 = vector.broadcast %jit3A_104 : f32 to vector<256x1000xf32>
    %select_n3A_107 = arith.select %ge3A_101, %broadcast_in_dim3A_105, %broadcast_in_dim3A_106 : vector<256x1000xi1>, vector<256x1000xf32>
    %add3A_108 = arith.addf %add3A_97, %select_n3A_107 : vector<256x1000xf32>
    %get3A_109 = arith.constant 9 : index
    %get3A_110 = memref.load %arg2[%get3A_109] : memref<14xf32, #tpu.memory_space<smem>>
    %ge3A_111 = vector.broadcast %get3A_110 : f32 to vector<256x1000xf32>
    %ge3A_112 = arith.cmpf oge, %min3A_9, %ge3A_111 : vector<256x1000xf32>
    %get3A_113 = arith.constant 10 : index
    %get3A_114 = memref.load %arg3[%get3A_113] : memref<15xf32, #tpu.memory_space<smem>>
    %jit3A_115 = arith.constant 0.000000e+00 : f32
    %broadcast_in_dim3A_116 = vector.broadcast %get3A_114 : f32 to vector<256x1000xf32>
    %broadcast_in_dim3A_117 = vector.broadcast %jit3A_115 : f32 to vector<256x1000xf32>
    %select_n3A_118 = arith.select %ge3A_112, %broadcast_in_dim3A_116, %broadcast_in_dim3A_117 : vector<256x1000xi1>, vector<256x1000xf32>
    %add3A_119 = arith.addf %add3A_108, %select_n3A_118 : vector<256x1000xf32>
    %get3A_120 = arith.constant 10 : index
    %get3A_121 = memref.load %arg2[%get3A_120] : memref<14xf32, #tpu.memory_space<smem>>
    %ge3A_122 = vector.broadcast %get3A_121 : f32 to vector<256x1000xf32>
    %ge3A_123 = arith.cmpf oge, %min3A_9, %ge3A_122 : vector<256x1000xf32>
    %get3A_124 = arith.constant 11 : index
    %get3A_125 = memref.load %arg3[%get3A_124] : memref<15xf32, #tpu.memory_space<smem>>
    %jit3A_126 = arith.constant 0.000000e+00 : f32
    %broadcast_in_dim3A_127 = vector.broadcast %get3A_125 : f32 to vector<256x1000xf32>
    %broadcast_in_dim3A_128 = vector.broadcast %jit3A_126 : f32 to vector<256x1000xf32>
    %select_n3A_129 = arith.select %ge3A_123, %broadcast_in_dim3A_127, %broadcast_in_dim3A_128 : vector<256x1000xi1>, vector<256x1000xf32>
    %add3A_130 = arith.addf %add3A_119, %select_n3A_129 : vector<256x1000xf32>
    %get3A_131 = arith.constant 11 : index
    %get3A_132 = memref.load %arg2[%get3A_131] : memref<14xf32, #tpu.memory_space<smem>>
    %ge3A_133 = vector.broadcast %get3A_132 : f32 to vector<256x1000xf32>
    %ge3A_134 = arith.cmpf oge, %min3A_9, %ge3A_133 : vector<256x1000xf32>
    %get3A_135 = arith.constant 12 : index
    %get3A_136 = memref.load %arg3[%get3A_135] : memref<15xf32, #tpu.memory_space<smem>>
    %jit3A_137 = arith.constant 0.000000e+00 : f32
    %broadcast_in_dim3A_138 = vector.broadcast %get3A_136 : f32 to vector<256x1000xf32>
    %broadcast_in_dim3A_139 = vector.broadcast %jit3A_137 : f32 to vector<256x1000xf32>
    %select_n3A_140 = arith.select %ge3A_134, %broadcast_in_dim3A_138, %broadcast_in_dim3A_139 : vector<256x1000xi1>, vector<256x1000xf32>
    %add3A_141 = arith.addf %add3A_130, %select_n3A_140 : vector<256x1000xf32>
    %get3A_142 = arith.constant 12 : index
    %get3A_143 = memref.load %arg2[%get3A_142] : memref<14xf32, #tpu.memory_space<smem>>
    %ge3A_144 = vector.broadcast %get3A_143 : f32 to vector<256x1000xf32>
    %ge3A_145 = arith.cmpf oge, %min3A_9, %ge3A_144 : vector<256x1000xf32>
    %get3A_146 = arith.constant 13 : index
    %get3A_147 = memref.load %arg3[%get3A_146] : memref<15xf32, #tpu.memory_space<smem>>
    %jit3A_148 = arith.constant 0.000000e+00 : f32
    %broadcast_in_dim3A_149 = vector.broadcast %get3A_147 : f32 to vector<256x1000xf32>
    %broadcast_in_dim3A_150 = vector.broadcast %jit3A_148 : f32 to vector<256x1000xf32>
    %select_n3A_151 = arith.select %ge3A_145, %broadcast_in_dim3A_149, %broadcast_in_dim3A_150 : vector<256x1000xi1>, vector<256x1000xf32>
    %add3A_152 = arith.addf %add3A_141, %select_n3A_151 : vector<256x1000xf32>
    %get3A_153 = arith.constant 13 : index
    %get3A_154 = memref.load %arg2[%get3A_153] : memref<14xf32, #tpu.memory_space<smem>>
    %ge3A_155 = vector.broadcast %get3A_154 : f32 to vector<256x1000xf32>
    %ge3A_156 = arith.cmpf oge, %min3A_9, %ge3A_155 : vector<256x1000xf32>
    %get3A_157 = arith.constant 14 : index
    %get3A_158 = memref.load %arg3[%get3A_157] : memref<15xf32, #tpu.memory_space<smem>>
    %jit3A_159 = arith.constant 0.000000e+00 : f32
    %broadcast_in_dim3A_160 = vector.broadcast %get3A_158 : f32 to vector<256x1000xf32>
    %broadcast_in_dim3A_161 = vector.broadcast %jit3A_159 : f32 to vector<256x1000xf32>
    %select_n3A_162 = arith.select %ge3A_156, %broadcast_in_dim3A_160, %broadcast_in_dim3A_161 : vector<256x1000xi1>, vector<256x1000xf32>
    %add3A_163 = arith.addf %add3A_152, %select_n3A_162 : vector<256x1000xf32>
    %swap3A = arith.constant 0 : index
    %swap3A_164 = arith.constant 0 : index
    %swap3A_165 = vector.load %arg4[%swap3A, %swap3A_164] : memref<256x1000xf32, #tpu.memory_space<vmem>>, vector<256x1000xf32>
    tpu.vector_store %arg4[%swap3A, %swap3A_164], %add3A_163 {strides = array<i32>} : memref<256x1000xf32, #tpu.memory_space<vmem>>, vector<256x1000xf32>,
    return
  }
  func.func @transform_0(%arg0: i32) -> (i32, i32) {
    %add3A = arith.constant 8 : i32
    %add3A_0 = arith.addi %arg0, %add3A : i32
    %c0_i32 = arith.constant 0 : i32
    %c0_i32_1 = arith.constant 0 : i32
    return %add3A_0, %c0_i32 : i32, i32
  }
  func.func @transform_1(%arg0: i32) -> i32 {
    %c0_i32 = arith.constant 0 : i32
    %c0_i32_0 = arith.constant 0 : i32
    return %c0_i32 : i32
  }
  func.func @transform_2(%arg0: i32) -> i32 {
    %c0_i32 = arith.constant 0 : i32
    %c0_i32_0 = arith.constant 0 : i32
    return %c0_i32 : i32
  }
  func.func @transform_3(%arg0: i32) -> (i32, i32) {
    %add3A = arith.constant 8 : i32
    %add3A_0 = arith.addi %arg0, %add3A : i32
    %c0_i32 = arith.constant 0 : i32
    %c0_i32_1 = arith.constant 0 : i32
    return %add3A_0, %c0_i32 : i32, i32
  }
}

</mosaic_0001>

<sc_bundles>
// kernel: kernel.4.cloned.1.call-start
scs
__scs_entry_jumppad:
0x0: {  	(pc) =	sbr.rel $0x88, $3  }
0x1: {  	(tag) =	ssettag $0x0;
	lr =	simm.s32 $0x1  }
0x2: {  	[smem:$0x3F9E] =	sst lr;
	_ =	strace $0xD0000000  }
0x3: {  	_ = 	snop  }
0x4: {  	_ = 	snop  }
0x5: {  	_ = 	snop  }
0x6: {  	_ = 	snop  }
0x7: {  	_ = 	snop  }
__scs_overlays_trampoline_lowered:
0x8: {  	[smem:$0x3FAD] =	sst s0  }
0x9: {  	[smem:$0x3FAE] =	sst s1  }
0xa: {  	[smem:$0x3FAF] =	sst s2  }
0xb: {  	[smem:$0x3FB0] =	sst s3  }
0xc: {  	[smem:$0x3FB1] =	sst s4  }
0xd: {  	[smem:$0x3FB2] =	sst s5  }
0xe: {  	[smem:$0x3FB3] =	sst s6  }
0xf: {  	[smem:$0x3FB4] =	sst s7  }
0x10: {  	[smem:$0x3FB5] =	sst s8  }
0x11: {  	[smem:$0x3FB6] =	sst s9;
	s0 =	simm.s32 @!p0 $0x0  }
0x12: {  	s1 =	sld [smem:$0x3F9C];
	s0 =	simm.s32 @p0 $0x1  }
0x13: {  	[smem:$0x3FB7] =	sst s0;
	s0 =	simm.s32 @!p1 $0x0  }
0x14: {  	s2 =	sld [smem:$0x3F9B];
	s0 =	simm.s32 @p1 $0x1  }
0x15: {  	[smem:$0x3FB8] =	sst s0;
	s0 =	simm.s32 @!p2 $0x0  }
0x16: {  	s3 =	sld [smem:$0x3FDB];
	s0 =	simm.s32 @p2 $0x1  }
0x17: {  	s4 =	simm.s32 $0x1BF5;
	[smem:$0x3FBA] =	sst s0  }
0x18: {  	s0 =	sld [smem:$0x3F9D];
	_ =	swait.ge [sflag:s4], $0x0  }
0x19: {  	s7 =	sld [smem:$0x3F9E]  }
0x1a: {  	s8 =	sadd.s32 $0xFFFFE003, lr  }
0x1b: {  	s9 =	sadd.s32 $0xFFFFFEF7, lr;
	s5 =	simm.s32 $0xFFFFFFFF;
	p2 =	slt.u32 s8, $0xFFFFF086  }
0x1c: {  	p1 =	slt.u32 s9, $0xF7A;
	s5 =	simm.s32 @!p2 $0x0  }
0x1d: {  	s5 =	simm.s32 @p1 $0x1;
	p0 =	seq.s32 s7, s2  }
0x1e: {  	s7 =	smul.u32 @!p0 $0xF7A, s2;
	p2 =	seq.s32 @!p0 s5, $0x0  }
0x1f: {  	s9 =	smul.u32 $0xF7A, s1;
	s8 =	simm.s32 @!p0 $0x1BF5;
	p2 =	por !p2, p0  }
0x20: {  	[sflag:s8] =	ssyncset.s32 @!p0 $0xFFFFF086;
	s6 =	sadd.s32 @!p0 s3, s7;
	s7 =	simm.s32 @!p0 $0x108  }
0x21: {  	s3 =	sadd.s32 s3, s9;
	s6 =	sadd.s32 @!p0 $0x88, s6;
	s7 =	simm.s32 @p2 $0x1082  }
0x22: {  	[simem:s7], [sflag:s8] =	dma.local @!p0 [hbm:s6], $0xF7A  }
0x23: {  	s9 =	sor.u32 $0xD0000000, s2;
	s6 =	simm.s32 $0x108;
	_ =	swait.ge @!p0 [sflag:s8], $0x0  }
0x24: {  	s3 =	sadd.s32 $0x88, s3;
	s6 =	simm.s32 @!p1 $0x1082;
	[sflag:s4] =	ssyncset.s32 $0xFFFFF086  }
0x25: {  	[simem:s6], [sflag:s4] =	dma.local [hbm:s3], $0xF7A  }
0x26: {  	[smem:$0x3F9E] =	sst s1;
	(tag) =	ssettag s2;
	_ =	strace s9  }
0x27: {  	s1 =	sld [smem:$0x3FAE]  }
0x28: {  	s2 =	sld [smem:$0x3FAF]  }
0x29: {  	s4 =	sld [smem:$0x3FB1]  }
0x2a: {  	p0 =	seq.s32 s5, $0x0;
	s5 =	sld [smem:$0x3FB2]  }
0x2b: {  	s6 =	sld [smem:$0x3FB3]  }
0x2c: {  	s7 =	sld [smem:$0x3FB4]  }
0x2d: {  	s3 =	simm.s32 $0x108;
	s8 =	sld [smem:$0x3FB5]  }
0x2e: {  	s3 =	simm.s32 @!p0 $0x1082;
	s9 =	sld [smem:$0x3FB6]  }
0x2f: {  	lr =	sadd.s32 s0, s3;
	s0 =	sld [smem:$0x3FAD]  }
0x30: {  	s3 =	sld [smem:$0x3FB0]  }
0x31: {  	[smem:$0x3FB9] =	sst s10  }
0x32: {  	s10 =	sld [smem:$0x3FB7];
	_ =	sdelay $0x3  }
0x33: {  	p0 =	seq.s32 s10, $0x1;
	s10 =	sld [smem:$0x3FB9];
	_ =	sdelay $0x3  }
0x34: {  	[smem:$0x3FB9] =	sst s10  }
0x35: {  	s10 =	sld [smem:$0x3FB8];
	_ =	sdelay $0x3  }
0x36: {  	p1 =	seq.s32 s10, $0x1;
	s10 =	sld [smem:$0x3FB9];
	_ =	sdelay $0x3  }
0x37: {  	[smem:$0x3FB9] =	sst s10  }
0x38: {  	s10 =	sld [smem:$0x3FBA]  }
0x39: {  	_ = 	snop;
	(pc) =	sbr.ind lr, $3  }
0x3a: {  	_ = 	snop  }
0x3b: {  	_ = 	snop  }
0x3c: {  	p2 =	seq.s32 s10, $0x1;
	s10 =	sld [smem:$0x3FB9]  }
0x3d: {  	_ =	shalt  }
0x3e: {  	_ =	shalt  }
0x3f: {  	_ =	shalt  }
0x40: {  	_ =	shalt  }
0x41: {  	_ =	shalt  }
0x42: {  	_ =	shalt  }
0x43: {  	_ =	shalt  }
0x44: {  	_ =	shalt  }
0x45: {  	_ =	shalt  }
0x46: {  	_ =	shalt  }
0x47: {  	_ =	shalt  }
0x48: {  	_ =	shalt  }
0x49: {  	_ =	shalt  }
0x4a: {  	_ =	shalt  }
0x4b: {  	_ =	shalt  }
0x4c: {  	_ =	shalt  }
0x4d: {  	_ =	shalt  }
0x4e: {  	_ =	shalt  }
0x4f: {  	_ =	shalt  }
0x50: {  	_ =	shalt  }
0x51: {  	_ =	shalt  }
0x52: {  	_ =	shalt  }
0x53: {  	_ =	shalt  }
0x54: {  	_ =	shalt  }
0x55: {  	_ =	shalt  }
0x56: {  	_ =	shalt  }
0x57: {  	_ =	shalt  }
0x58: {  	_ =	shalt  }
0x59: {  	_ =	shalt  }
0x5a: {  	_ =	shalt  }
0x5b: {  	_ =	shalt  }
0x5c: {  	_ =	shalt  }
0x5d: {  	_ =	shalt  }
0x5e: {  	_ =	shalt  }
0x5f: {  	_ =	shalt  }
0x60: {  	_ =	shalt  }
0x61: {  	_ =	shalt  }
0x62: {  	_ =	shalt  }
0x63: {  	_ =	shalt  }
0x64: {  	_ =	shalt  }
0x65: {  	_ =	shalt  }
0x66: {  	_ =	shalt  }
0x67: {  	_ =	shalt  }
0x68: {  	_ =	shalt  }
0x69: {  	_ =	shalt  }
0x6a: {  	_ =	shalt  }
0x6b: {  	_ =	shalt  }
0x6c: {  	_ =	shalt  }
0x6d: {  	_ =	shalt  }
0x6e: {  	_ =	shalt  }
0x6f: {  	_ =	shalt  }
0x70: {  	_ =	shalt  }
0x71: {  	_ =	shalt  }
0x72: {  	_ =	shalt  }
0x73: {  	_ =	shalt  }
0x74: {  	_ =	shalt  }
0x75: {  	_ =	shalt  }
0x76: {  	_ =	shalt  }
0x77: {  	_ =	shalt  }
0x78: {  	_ =	shalt  }
0x79: {  	_ =	shalt  }
0x7a: {  	_ =	shalt  }
0x7b: {  	_ =	shalt  }
0x7c: {  	_ =	shalt  }
0x7d: {  	_ =	shalt  }
0x7e: {  	_ =	shalt  }
0x7f: {  	_ =	shalt  }
0x80: {  	_ =	shalt  }
0x81: {  	_ =	shalt  }
0x82: {  	_ =	shalt  }
0x83: {  	_ =	shalt  }
0x84: {  	_ =	shalt  }
0x85: {  	_ =	shalt  }
0x86: {  	_ =	shalt  }
0x87: {  	_ =	shalt  }
.Lfunc_end0:
.L_simem_size_0:
called_computation.1_lowered:
.L_overlay_start_0:
0x88: {  	s2 =	sld [smem:$0x3FD9]  }
0x89: {  	s3 =	sld [smem:$0x3FFE];
	_ =	sdelay $0x1  }
0x8a: {  	s1 =	srdreg.scid  }
0x8b: {  	s0 =	sand.u32 $0x1, s1  }
0x8c: {  	s17 =	sshll.u32 s0, $0xA;
	s2 =	sadd.s32 s3, s2  }
0x8d: {  	s2 =	sadd.s32 s2, s17  }
0x8e: {  	[smem:$0x3FC5] =	sst s2  }
0x8f: {  	_ = 	snop  }
0x90: {  	s2 =	sld [smem:$0x3FD0];
	(tm) =	ssettm $0x1  }
0x91: {  	s18 =	sld [smem:$0x3FFB];
	_ =	sdelay $0x3  }
0x92: {  	_ =	strace s18  }
0x93: {  	s3 =	sld [smem:$0x3FFC];
	_ =	sdelay $0x3  }
0x94: {  	_ =	strace s3  }
0x95: {  	s3 =	sld [smem:$0x3FFD];
	_ =	sdelay $0x3  }
0x96: {  	_ =	strace s3  }
0x97: {  	_ =	strace $0x8FFFFFFF  }
0x98: {  	s19 =	sld [smem:$0x3FDB];
	_ =	sdelay $0x1  }
0x99: {  	s4 =	simm.s32 $_scs_section_size  }
0x9a: {  	s5 =	simm.s32 $_size__tile_overlayer_lowered;
	s6 =	simm.s32 $_tile_overlayer_lowered  }
0x9b: {  	s22 =	simm.s32 $0x1BFF;
	s21 =	sshll.u32 s6, $0x1;
	s3 =	sadd.s32 s4, s19  }
0x9c: {  	s7 =	simm.s32 $0x0;
	s20 =	sshll.u32 s5, $0x1;
	s5 =	sadd.s32 s21, s3  }
0x9d: {  	[timem:s7], [sflag:s22] =	dma.local [hbm:s5], s20  }
0x9e: {  	_ =	swait.ge [sflag:s22], s20  }
0x9f: {  	s4 =	ssub.s32 $0x0, s20;
	[sflag:s22] =	ssyncset.done $0x0  }
0xa0: {  	[sflag:s22] =	ssyncadd.s32 s4;
	_ =	sdelay $0x1  }
0xa1: {  	s23 =	simm.s32 $0x1B8B  }
0xa2: {  	_ =	swait.ge [sflag:s23], $0x1  }
0xa3: {  	[sflag:s23] =	ssyncset.done $0x0  }
0xa4: {  	s25 =	simm.s32 $0x1B8E;
	s24 =	sld [smem:$0x3FFE];
	[sflag:s23] =	ssyncadd.s32 $0xFFFFFFFF  }
0xa5: {  	s26 =	simm.s32 $execute0_lowered;
	[smem:$0x3FD2] =	sst s25  }
0xa6: {  	s5 =	sshll.u32 s26, $0x1;
	_ =	strace $0x80000046;
	[dreg:$0x1] =	wrdreg $0xFFFFFFFF  }
0xa7: {  	s28 =	simm.s32 $_size_execute0_lowered;
	s3 =	sadd.s32 s3, s5;
	[dreg:$0x0] =	wrdreg $0x0  }
0xa8: {  	s5 =	sshll.u32 s28, $0x1;
	[dreg:$0x2] =	wrdreg s3  }
0xa9: {  	[dreg:$0x3] =	wrdreg s5  }
0xaa: {  	[dreg:$0x4] =	wrdreg $0xC0  }
0xab: {  	_ =	task [dreg:s7], $0x5FFFF  }
0xac: {  	[dreg:$0x1] =	wrdreg $0xFFFFFFFF  }
0xad: {  	[dreg:$0x0] =	wrdreg $0x60  }
0xae: {  	[dreg:$0x2] =	wrdreg s2  }
0xaf: {  	[dreg:$0x3] =	wrdreg s24  }
0xb0: {  	[dreg:$0x4] =	wrdreg $0x9  }
0xb1: {  	_ =	task.clear_ibuf [dreg:s7], $0x5FFFF;
	_ =	strace $0x90000046  }
0xb2: {  	s29 =	simm.s32 $0x9;
	_ =	strace $0x8000004B  }
0xb3: {  	_ =	swait.ge [sflag:s29], $0x1  }
0xb4: {  	[sflag:s29] =	ssyncadd.s32 $0xFFFFFFFF  }
0xb5: {  	_ =	strace $0x9000004B  }
0xb6: {  	_ =	sfence  }
0xb7: {  	s30 =	sld [smem:$0x0];
	_ =	sdelay $0x2  }
0xb8: {  	s31 =	sshll.u32 s1, $0xD;
	s1 =	sshrl.u32 s1, $0x2  }
0xb9: {  	s3 =	sand.u32 $0x4000, s31;
	s1 =	sadd.s32 s1, s30  }
0xba: {  	s0 =	sor.u32 s3, s0;
	s1 =	sshll.u32 s1, $0x11  }
0xbb: {  	s0 =	sor.u32 s1, s0  }
0xbc: {  	s0 =	sadd.s32 $0x8F2B, s0  }
0xbd: {  	[sflag:s0] =	ssyncadd.remote.s32 $0x1  }
0xbe: {  	_ =	sfence.sel $0xFFFF  }
0xbf: {  	[dreg:$0x0] =	wrdreg $0xFFFFFFFF;
	(pc) =	sbr.abs _section_cstart, $3  }
0xc0: {  	[dreg:$0x1] =	wrdreg $0xFFFFFFFF  }
0xc1: {  	_ =	task.clear_ibuf [dreg:s7], $0x2FFFF;
	_ =	strace $0x9FFFFFFF  }
0xc2: {  	(tm) =	ssettm $0x7FFFFFFF  }
0xc3: {  	_ =	shalt  }
tec
execute0_lowered:
.L_overlay_start_1:
0x0: {  	(tag) =	ssettag $0x1  }
0x1: {  	s0 =	rddreg [dreg:$0x1]  }
0x2: {  	s1 =	simm.s32 $0x0;
	s28 =	srdreg.scid;
	s4 =	stileid.u32  }
0x3: {  	[smem:$0x7FF] =	sst s1;
	s2 =	sadd.s32 $0xA00, s0;
	s1 =	sand.u32 $0x1, s28  }
0x4: {  	s29 =	sadd.s32 $0x800, s0;
	s4 =	sshll.u32 s4, $0x3;
	s0 =	sadd.s32 $0xC00, s0  }
0x5: {  	_ =	strace $0x80000047;
	[dreg:$0x3] =	wrdreg s2;
	s30 =	ssub.s32 $0x2, s1  }
0x6: {  	[dreg:$0x4] =	wrdreg s29;
	s1 =	sshll.u32 s1, $0x2;
	s3 =	sshrl.u32 s30, $0x1  }
0x7: {  	[dreg:$0x5] =	wrdreg s0;
	s1 =	sor.u32 s1, s4;
	s31 =	ssub.s32 s30, s3  }
0x8: {  	[dreg:$0x6] =	wrdreg s1;
	s0 =	smax.u32 s31, $0x1  }
0x9: {  	vm0 =	vmmov $0xff;
	s3 =	simm.s32 $0x1;
	s1 =	simm.s32 $0x0;
	[dreg:$0x7] =	wrdreg s0  }
.LBB2_1:
0xa: {  	[dreg:$0x8] =	wrdreg s1  }
0xb: {  	s0 =	simm.s32 $0x0;
	s24 =	rddreg [dreg:$0x3];
	s2 =	simm.s32 $0x7D00  }
0xc: {  	[tilespmem:s2], [sflag:$0x1] =	stream.linear.gather [hbm4b:s24+s0], $0x80, $0x38;
	[tilespmem:$0x7E00] =	vst v63  }
0xd: {  	_ =	swait.ge [sflag:s3], $0x80  }
0xe: {  	[sflag:s3] =	ssyncset.done $0x0  }
0xf: {  	s26 =	simm.s32 $0x7D80;
	s25 =	rddreg [dreg:$0x4];
	[sflag:s3] =	ssyncadd.s32 $0xFFFFFF80  }
0x10: {  	[tilespmem:s26], [sflag:$0x1] =	stream.linear.gather [hbm4b:s25+s0], $0x80, $0x38;
	[tilespmem:$0x7E00] =	vst v63  }
0x11: {  	_ =	swait.ge [sflag:s3], $0x80  }
0x12: {  	[sflag:s3] =	ssyncset.done $0x0  }
0x13: {  	[sflag:s3] =	ssyncadd.s32 $0xFFFFFF80  }
0x14: {  	v0 =	vld [tilespmem:$0x7D00];
	_ =	sdelay $0x4  }
0x15: {  	(v2sf) =	vpush v0, $0x0  }
0x16: {  	(v2sf) =	vpush v0, $0x1  }
0x17: {  	(v2sf) =	vpush v0, $0x2  }
0x18: {  	(v2sf) =	vpush v0, $0x3  }
0x19: {  	(v2sf) =	vpush v0, $0x4  }
0x1a: {  	(v2sf) =	vpush v0, $0x5  }
0x1b: {  	(v2sf) =	vpush v0, $0x6  }
0x1c: {  	(v2sf) =	vpush v0, $0x7  }
0x1d: {  	(v2sf) =	vpush v0, $0x8  }
0x1e: {  	(v2sf) =	vpush v0, $0x9  }
0x1f: {  	(v2sf) =	vpush v0, $0xA  }
0x20: {  	(v2sf) =	vpush v0, $0xB  }
0x21: {  	(v2sf) =	vpush v0, $0xC  }
0x22: {  	(v2sf) =	vpush v0, $0xD;
	_ =	sdelay $0x1  }
0x23: {  	s26 =	spop (v2sf)  }
0x24: {  	s28 =	spop (v2sf)  }
0x25: {  	s29 =	spop (v2sf)  }
0x26: {  	s30 =	spop (v2sf)  }
0x27: {  	s31 =	spop (v2sf)  }
0x28: {  	s4 =	spop (v2sf)  }
0x29: {  	s5 =	spop (v2sf)  }
0x2a: {  	s6 =	spop (v2sf)  }
0x2b: {  	s7 =	spop (v2sf)  }
0x2c: {  	s8 =	spop (v2sf)  }
0x2d: {  	s9 =	spop (v2sf)  }
0x2e: {  	s10 =	spop (v2sf)  }
0x2f: {  	s11 =	spop (v2sf)  }
0x30: {  	s12 =	spop (v2sf)  }
0x31: {  	p0 =	sgt.f32 s12, $1.000000000e+00;
	_ =	sdelay $0x1  }
0x32: {  	s13 =	simm.s32 @!p0 $0x0  }
0x33: {  	s13 =	simm.s32 @p0 $0x1;
	p0 =	sle.f32 s12, $9.999999710e-10;
	_ =	sdelay $0x1  }
0x34: {  	[dreg:$0x16] =	wrdreg s12;
	s12 =	simm.s32 @!p0 $0x0  }
0x35: {  	s12 =	simm.s32 @p0 $0x1;
	p0 =	sgt.f32 s11, $1.000000000e+00;
	_ =	sdelay $0x1  }
0x36: {  	[smem:$0x7E9] =	sst s12;
	s12 =	simm.s32 @!p0 $0x0  }
0x37: {  	s12 =	simm.s32 @p0 $0x1;
	p0 =	sle.f32 s11, $9.999999710e-10;
	_ =	sdelay $0x1  }
0x38: {  	[dreg:$0x15] =	wrdreg s11;
	s11 =	simm.s32 @!p0 $0x0  }
0x39: {  	s11 =	simm.s32 @p0 $0x1;
	p0 =	sgt.f32 s10, $1.000000000e+00;
	_ =	sdelay $0x1  }
0x3a: {  	[smem:$0x7EB] =	sst s11;
	s11 =	simm.s32 @!p0 $0x0  }
0x3b: {  	s11 =	simm.s32 @p0 $0x1;
	p0 =	sle.f32 s10, $9.999999710e-10;
	_ =	sdelay $0x1  }
0x3c: {  	[dreg:$0x14] =	wrdreg s10;
	s10 =	simm.s32 @!p0 $0x0  }
0x3d: {  	s10 =	simm.s32 @p0 $0x1;
	p0 =	sgt.f32 s9, $1.000000000e+00;
	_ =	sdelay $0x1  }
0x3e: {  	[smem:$0x7ED] =	sst s10;
	s10 =	simm.s32 @!p0 $0x0  }
0x3f: {  	s10 =	simm.s32 @p0 $0x1;
	p0 =	sle.f32 s9, $9.999999710e-10;
	_ =	sdelay $0x1  }
0x40: {  	[dreg:$0x13] =	wrdreg s9;
	s9 =	simm.s32 @!p0 $0x0  }
0x41: {  	s9 =	simm.s32 @p0 $0x1;
	p0 =	sgt.f32 s8, $1.000000000e+00;
	_ =	sdelay $0x1  }
0x42: {  	[smem:$0x7EF] =	sst s9;
	s9 =	simm.s32 @!p0 $0x0  }
0x43: {  	s9 =	simm.s32 @p0 $0x1;
	p0 =	sle.f32 s8, $9.999999710e-10;
	_ =	sdelay $0x1  }
0x44: {  	[dreg:$0x12] =	wrdreg s8;
	s8 =	simm.s32 @!p0 $0x0  }
0x45: {  	s8 =	simm.s32 @p0 $0x1;
	p0 =	sgt.f32 s7, $1.000000000e+00;
	_ =	sdelay $0x1  }
0x46: {  	[smem:$0x7F1] =	sst s8;
	s8 =	simm.s32 @!p0 $0x0  }
0x47: {  	s8 =	simm.s32 @p0 $0x1;
	p0 =	sle.f32 s7, $9.999999710e-10;
	_ =	sdelay $0x1  }
0x48: {  	[dreg:$0x11] =	wrdreg s7;
	s7 =	simm.s32 @!p0 $0x0  }
0x49: {  	s7 =	simm.s32 @p0 $0x1;
	p0 =	sgt.f32 s6, $1.000000000e+00;
	_ =	sdelay $0x1  }
0x4a: {  	[smem:$0x7F3] =	sst s7;
	s7 =	simm.s32 @!p0 $0x0  }
0x4b: {  	s7 =	simm.s32 @p0 $0x1;
	p0 =	sle.f32 s6, $9.999999710e-10;
	_ =	sdelay $0x1  }
0x4c: {  	[dreg:$0x10] =	wrdreg s6;
	s6 =	simm.s32 @!p0 $0x0  }
0x4d: {  	s6 =	simm.s32 @p0 $0x1;
	p0 =	sgt.f32 s5, $1.000000000e+00;
	_ =	sdelay $0x1  }
0x4e: {  	[smem:$0x7F5] =	sst s6;
	s6 =	simm.s32 @!p0 $0x0  }
0x4f: {  	s6 =	simm.s32 @p0 $0x1;
	p0 =	sle.f32 s5, $9.999999710e-10  }
0x50: {  	[dreg:$0x9] =	wrdreg s26  }
0x51: {  	[dreg:$0xf] =	wrdreg s5;
	s5 =	simm.s32 @!p0 $0x0  }
0x52: {  	[dreg:$0xa] =	wrdreg s28;
	s5 =	simm.s32 @p0 $0x1;
	p0 =	sgt.f32 s4, $1.000000000e+00  }
0x53: {  	[dreg:$0xb] =	wrdreg s29  }
0x54: {  	[smem:$0x7F7] =	sst s5;
	s5 =	simm.s32 @!p0 $0x0  }
0x55: {  	[dreg:$0xc] =	wrdreg s30;
	s5 =	simm.s32 @p0 $0x1;
	p0 =	sle.f32 s4, $9.999999710e-10  }
0x56: {  	[dreg:$0xd] =	wrdreg s31  }
0x57: {  	[dreg:$0xe] =	wrdreg s4;
	s4 =	simm.s32 @!p0 $0x0  }
0x58: {  	[smem:$0x7E8] =	sst s13;
	s4 =	simm.s32 @p0 $0x1;
	p0 =	sgt.f32 s31, $1.000000000e+00  }
0x59: {  	v14 =	vld [tilespmem:$0x7D80];
	[smem:$0x7EA] =	sst s12  }
0x5a: {  	[smem:$0x7F9] =	sst s4;
	s4 =	simm.s32 @!p0 $0x0  }
0x5b: {  	[smem:$0x7EC] =	sst s11;
	s4 =	simm.s32 @p0 $0x1;
	p0 =	sle.f32 s31, $9.999999710e-10  }
0x5c: {  	[smem:$0x7EE] =	sst s10  }
0x5d: {  	[smem:$0x7F0] =	sst s9;
	s2 =	simm.s32 @!p0 $0x0  }
0x5e: {  	v1 =	vbroadcast v14, $0x1;
	[smem:$0x7F2] =	sst s8;
	s2 =	simm.s32 @p0 $0x1;
	p0 =	sgt.f32 s30, $1.000000000e+00  }
0x5f: {  	v2 =	vbroadcast v14, $0x2;
	v3 =	vbroadcast v14, $0x3;
	p5 =	sgt.f32 s26, $1.000000000e+00;
	[smem:$0x7F4] =	sst s7  }
0x60: {  	v4 =	vbroadcast v14, $0x4;
	v5 =	vbroadcast v14, $0x5;
	p6 =	sle.f32 s26, $9.999999710e-10;
	[smem:$0x7FB] =	sst s2;
	s2 =	simm.s32 @!p0 $0x0  }
0x61: {  	v6 =	vbroadcast v14, $0x6;
	v7 =	vbroadcast v14, $0x7;
	[smem:$0x7F6] =	sst s6;
	s2 =	simm.s32 @p0 $0x1;
	p0 =	sle.f32 s30, $9.999999710e-10  }
0x62: {  	v8 =	vbroadcast v14, $0x8;
	v9 =	vbroadcast v14, $0x9;
	p3 =	sgt.f32 s28, $1.000000000e+00;
	[smem:$0x7F8] =	sst s5  }
0x63: {  	v10 =	vbroadcast v14, $0xA;
	v11 =	vbroadcast v14, $0xB;
	p4 =	sle.f32 s28, $9.999999710e-10;
	[smem:$0x7FA] =	sst s4;
	s1 =	simm.s32 @!p0 $0x0  }
0x64: {  	v12 =	vbroadcast v14, $0xC;
	v13 =	vbroadcast v14, $0xD;
	p1 =	sgt.f32 s29, $1.000000000e+00;
	[smem:$0x7FC] =	sst s2;
	s1 =	simm.s32 @p0 $0x1  }
0x65: {  	v0 =	vbroadcast v14, $0x0;
	v14 =	vbroadcast v14, $0xE;
	p2 =	sle.f32 s29, $9.999999710e-10;
	[smem:$0x7FD] =	sst s1;
	s1 =	simm.s32 $0x0  }
.LBB2_2:
0x66: {  	s0 =	rddreg [dreg:$0x6]  }
0x67: {  	[dreg:$0x17] =	wrdreg s1  }
0x68: {  	s30 =	rddreg [dreg:$0x0];
	s31 =	simm.s32 $0x0;
	s0 =	sadd.s32 s0, s1  }
0x69: {  	s9 =	simm.s32 $0x3F0;
	s11 =	simm.s32 $0x7;
	s1 =	smul.u32 $0x7D0, s0  }
0x6a: {  	s4 =	simm.s32 $0x460;
	s5 =	simm.s32 $0x770;
	s8 =	simm.s32 $0x100  }
0x6b: {  	s13 =	simm.s32 $0x4200;
	[dreg:$0x18] =	wrdreg s1;
	s0 =	sadd.s32 s30, s1  }
0x6c: {  	[tilespmem:s31], [sflag:$0x1] =	stream.linear.gather [hbm4b:s0+s31], $0x3E80, $0x38;
	[tilespmem:$0x7E00] =	vst v63  }
0x6d: {  	s12 =	simm.s32 $0x45F0;
	s2 =	simm.s32 $0x0;
	_ =	swait.ge [sflag:s3], $0x3E80  }
0x6e: {  	s6 =	simm.s32 $0x0;
	s1 =	simm.s32 $0x1000;
	[sflag:s3] =	ssyncset.done $0x0  }
0x6f: {  	s0 =	simm.s32 $0x40;
	[sflag:s3] =	ssyncadd.s32 $0xFFFFC180;
	s3 =	simm.s32 $0x380  }
.LBB2_3:
0x70: {  	s7 =	sshll.u32 s2, $0x2;
	s10 =	sand.u32 $0x7, s31  }
0x71: {  	s7 =	sand.u32 $0xFFFFFE00, s7;
	s10 =	sshll.u32 s10, $0x6  }
0x72: {  	s30 =	sor.u32 s10, s7  }
0x73: {  	_ =	strace $0x80000048;
	s7 =	sshrl.u32 s30, $0x2  }
0x74: {  	v17 =	vld [tilespmem:s7+$0x0]  }
0x75: {  	v18 =	vld [tilespmem:s0+$0xFFFFFFD0]  }
0x76: {  	s25 =	sshll.u32 s9, $0x2;
	s14 =	sand.u32 $0x7, s11;
	v19 =	vld [tilespmem:s0+$0xFFFFFFE0]  }
0x77: {  	v15 =	vld [tilespmem:s0+$0xFFFFFFF0];
	s14 =	sshll.u32 s14, $0x6;
	s10 =	sand.u32 $0xFFFFFE00, s25  }
0x78: {  	v20 =	vimm.f32 $-Inf;
	v16 =	vld [tilespmem:s0+$0x0];
	s10 =	sor.u32 s14, s10  }
0x79: {  	v20 =	vmax.f32 v20, v17;
	v17 =	vld [tilespmem:s0+$0x10];
	[dreg:$0x1a] =	wrdreg s10  }
0x7a: {  	s29 =	smul.u32 $0x7D0, s6;
	s15 =	simm.s32 $0x0;
	v20 =	vmax.f32 v20, v18;
	v18 =	vld [tilespmem:s0+$0x20]  }
0x7b: {  	s17 =	smov.u32 s0;
	s14 =	sshrl.u32 s10, $0x2;
	s16 =	sadd.s32 $0x80, s7;
	v20 =	vmax.f32 v20, v19;
	v19 =	vld [tilespmem:s0+$0x30]  }
.LBB2_4:
0x7c: {  	v21 =	vld [tilespmem:s16+$0x0];
	s15 =	sadd.s32 $0x8, s15;
	v15 =	vmax.f32 v20, v15;
	s17 =	sadd.s32 $0x80, s17  }
0x7d: {  	v20 =	vld [tilespmem:s17+$0xFFFFFFD0];
	p0 =	slt.u32 s15, $0x30;
	v15 =	vmax.f32 v15, v16  }
0x7e: {  	v22 =	vld [tilespmem:s17+$0xFFFFFFE0];
	v16 =	vmax.f32 v15, v17  }
.Ltmp0:
0x7f: {  	v15 =	vld [tilespmem:s17+$0xFFFFFFF0];
	v17 =	vmax.f32 v16, v18;
	(pc) =	sbr.rel @p0 .LBB2_4-.Ltmp0, $4  }
0x80: {  	v16 =	vld [tilespmem:s17+$0x0];
	v17 =	vmax.f32 v17, v19  }
0x81: {  	v18 =	vmax.f32 v17, v21;
	v17 =	vld [tilespmem:s17+$0x10]  }
0x82: {  	v19 =	vmax.f32 v18, v20;
	v18 =	vld [tilespmem:s17+$0x20]  }
0x83: {  	s16 =	sadd.s32 $0x80, s16;
	v20 =	vmax.f32 v19, v22;
	v19 =	vld [tilespmem:s17+$0x30]  }
0x84: {  	v15 =	vmax.f32 v20, v15  }
0x85: {  	v15 =	vmax.f32 v15, v16  }
0x86: {  	v15 =	vmax.f32 v15, v17  }
0x87: {  	v15 =	vmax.f32 v15, v18  }
0x88: {  	s15 =	simm.s32 $0x0;
	v16 =	vmax.f32 v15, v19  }
.LBB2_6:
0x89: {  	s16 =	sshra.s32 s15, $0x2  }
0x8a: {  	s16 =	sadd.s32 s16, s3  }
0x8b: {  	p0 =	sne.s32 s15, $0x140;
	v15 =	vld [tilespmem:s16+$0x0]  }
.Ltmp1:
0x8c: {  	_ = 	snop;
	(pc) =	sbr.rel @p0 .LBB2_6-.Ltmp1, $2  }
0x8d: {  	_ =	sdelay $0x2  }
0x8e: {  	s15 =	sadd.s32 $0x40, s15;
	v16 =	vmax.f32 v16, v15  }
0x8f: {  	v18 =	vld [tilespmem:s14+$0x0]  }
0x90: {  	v19 =	vld [tilespmem:s4+$0xFFFFFFA0]  }
0x91: {  	v20 =	vld [tilespmem:s4+$0xFFFFFFB0]  }
0x92: {  	v17 =	vld [tilespmem:s4+$0xFFFFFFC0]  }
0x93: {  	v21 =	vimm.f32 $-Inf;
	v15 =	vld [tilespmem:s4+$0xFFFFFFD0]  }
0x94: {  	v21 =	vmax.f32 v21, v18;
	v18 =	vld [tilespmem:s4+$0xFFFFFFE0]  }
0x95: {  	v21 =	vmax.f32 v21, v19;
	v19 =	vld [tilespmem:s4+$0xFFFFFFF0]  }
0x96: {  	s15 =	simm.s32 $0x0;
	s16 =	sadd.s32 $0x80, s14;
	s17 =	smov.u32 s4;
	v21 =	vmax.f32 v21, v20;
	v20 =	vld [tilespmem:s4+$0x0]  }
.LBB2_8:
0x97: {  	v22 =	vld [tilespmem:s16+$0x0];
	s15 =	sadd.s32 $0x8, s15;
	v17 =	vmax.f32 v21, v17;
	s17 =	sadd.s32 $0x80, s17  }
0x98: {  	v21 =	vld [tilespmem:s17+$0xFFFFFFA0];
	p0 =	slt.u32 s15, $0x30;
	v15 =	vmax.f32 v17, v15  }
0x99: {  	v23 =	vld [tilespmem:s17+$0xFFFFFFB0];
	v15 =	vmax.f32 v15, v18  }
.Ltmp2:
0x9a: {  	v17 =	vld [tilespmem:s17+$0xFFFFFFC0];
	v18 =	vmax.f32 v15, v19;
	(pc) =	sbr.rel @p0 .LBB2_8-.Ltmp2, $4  }
0x9b: {  	v15 =	vld [tilespmem:s17+$0xFFFFFFD0];
	v18 =	vmax.f32 v18, v20  }
0x9c: {  	v19 =	vmax.f32 v18, v22;
	v18 =	vld [tilespmem:s17+$0xFFFFFFE0]  }
0x9d: {  	v20 =	vmax.f32 v19, v21;
	v19 =	vld [tilespmem:s17+$0xFFFFFFF0]  }
0x9e: {  	s16 =	sadd.s32 $0x80, s16;
	v21 =	vmax.f32 v20, v23;
	v20 =	vld [tilespmem:s17+$0x0]  }
0x9f: {  	v17 =	vmax.f32 v21, v17  }
0xa0: {  	v15 =	vmax.f32 v17, v15  }
0xa1: {  	v15 =	vmax.f32 v15, v18  }
0xa2: {  	v15 =	vmax.f32 v15, v19  }
0xa3: {  	s15 =	simm.s32 $0x0;
	v18 =	vmax.f32 v15, v20  }
.LBB2_10:
0xa4: {  	s16 =	sshra.s32 s15, $0x2  }
0xa5: {  	s16 =	sadd.s32 s16, s5  }
0xa6: {  	p0 =	sne.s32 s15, $0x140;
	v15 =	vld [tilespmem:s16+$0x0]  }
.Ltmp3:
0xa7: {  	_ = 	snop;
	(pc) =	sbr.rel @p0 .LBB2_10-.Ltmp3, $2  }
0xa8: {  	_ =	sdelay $0x2  }
0xa9: {  	s15 =	sadd.s32 $0x40, s15;
	v18 =	vmax.f32 v18, v15  }
0xaa: {  	_ =	strace $0x90000048  }
0xab: {  	v15 =	vld [tilespmem:s29+$0x3E0];
	_ =	sdelay $0x4  }
0xac: {  	v17 =	vnsel vm0, $0xFF800000, v15  }
0xad: {  	v16 =	vmax.f32 v16, v17  }
0xae: {  	(xrf0) =	vmax.scan.msk.f32 $0xffff, v16;
	_ =	sdelay $0x5  }
0xaf: {  	v16, _, _ =	vpop (xrf0)  }
0xb0: {  	_ =	strace $0x80000049  }
0xb1: {  	v17 =	vld [tilespmem:s7+$0x0];
	_ =	sdelay $0x1  }
0xb2: {  	v19 =	vld [tilespmem:s0+$0xFFFFFFD0]  }
0xb3: {  	v16 =	vbroadcast v16, $0xF  }
0xb4: {  	v20 =	vld [tilespmem:s0+$0xFFFFFFE0]  }
0xb5: {  	v21 =	vld [tilespmem:s0+$0xFFFFFFF0];
	v17 =	vsub.f32 v17, v16;
	_ =	sdelay $0x1  }
0xb6: {  	v19 =	vsub.f32 v19, v16;
	v17 =	vmul.f32 $1.442695020e+00, v17  }
0xb7: {  	v22 =	vld [tilespmem:s0+$0x0]  }
0xb8: {  	v20 =	vsub.f32 v20, v16;
	v19 =	vmul.f32 $1.442695020e+00, v19;
	(erf) = vpow2.f32 v17  }
0xb9: {  	v21 =	vsub.f32 v21, v16;
	v17 =	vld [tilespmem:s0+$0x10]  }
0xba: {  	v23 =	vld [tilespmem:s0+$0x20];
	v20 =	vmul.f32 $1.442695020e+00, v20;
	(erf) = vpow2.f32 v19  }
0xbb: {  	v21 =	vmul.f32 $1.442695020e+00, v21  }
0xbc: {  	v19 =	vsub.f32 v22, v16;
	(erf) = vpow2.f32 v20  }
0xbd: {  	s15 =	sadd.s32 $0x80, s7;
	(erf) = vpow2.f32 v21;
	v21 =	vld [tilespmem:s0+$0x30]  }
0xbe: {  	v22 =	vld [tilespmem:s15+$0x0];
	v19 =	vmul.f32 $1.442695020e+00, v19;
	v17 =	vsub.f32 v17, v16  }
0xbf: {  	s16 =	sadd.s32 $0x80, s0;
	v20 =	vsub.f32 v23, v16  }
0xc0: {  	v24 =	vld [tilespmem:s16+$0xFFFFFFD0];
	(erf) = vpow2.f32 v19;
	v17 =	vmul.f32 $1.442695020e+00, v17  }
0xc1: {  	v20 =	vmul.f32 $1.442695020e+00, v20;
	v19 =	vimm.f32 $0.0e+00;
	v23 =	vpop (erf)  }
0xc2: {  	v21 =	vsub.f32 v21, v16;
	(erf) = vpow2.f32 v17;
	v19 =	vadd.f32 v23, v19  }
0xc3: {  	v22 =	vsub.f32 v22, v16;
	v17 =	vld [tilespmem:s16+$0xFFFFFFE0];
	v25 =	vpop (erf)  }
0xc4: {  	(erf) = vpow2.f32 v20;
	v20 =	vld [tilespmem:s16+$0xFFFFFFF0];
	v21 =	vmul.f32 $1.442695020e+00, v21;
	v19 =	vadd.f32 v25, v19  }
0xc5: {  	[tilespmem:s7+$0x0] =	vst v23;
	v23 =	vsub.f32 v24, v16;
	v26 =	vpop (erf)  }
0xc6: {  	v27 =	vld [tilespmem:s16+$0x0];
	v22 =	vmul.f32 $1.442695020e+00, v22;
	v24 =	vpop (erf);
	(erf) = vpow2.f32 v21;
	v19 =	vadd.f32 v26, v19  }
0xc7: {  	[tilespmem:s0+$0xFFFFFFD0] =	vst v25;
	v21 =	vmul.f32 $1.442695020e+00, v23  }
0xc8: {  	v28 =	vld [tilespmem:s16+$0x10];
	[tilespmem:s0+$0xFFFFFFE0] =	vst v26;
	(erf) = vpow2.f32 v22;
	v17 =	vsub.f32 v17, v16;
	v19 =	vadd.f32 v24, v19  }
0xc9: {  	[tilespmem:s0+$0xFFFFFFF0] =	vst v24;
	v23 =	vpop (erf);
	v20 =	vsub.f32 v20, v16  }
0xca: {  	s25 =	sadd.s32 $0x3E0, s29;
	(erf) = vpow2.f32 v21;
	[tilespmem:s0+$0x0] =	vst v23;
	v22 =	vmul.f32 $1.442695020e+00, v17;
	v17 =	vld [tilespmem:s16+$0x20];
	v24 =	vadd.f32 v23, v19  }
0xcb: {  	v21 =	vsub.f32 v27, v16;
	[dreg:$0x19] =	wrdreg s25;
	v25 =	vpop (erf)  }
0xcc: {  	s19 =	simm.s32 $0x8;
	v23 =	vmul.f32 $1.442695020e+00, v20;
	v19 =	vld [tilespmem:s16+$0x30];
	(erf) = vpow2.f32 v22;
	v24 =	vadd.f32 v25, v24  }
0xcd: {  	s18 =	smov.u32 s0;
	s20 =	sadd.s32 $0x80, s15;
	s17 =	smov.u32 s16;
	v22 =	vsub.f32 v28, v16;
	[tilespmem:s0+$0x10] =	vst v25;
	v20 =	vpop (erf)  }
.LBB2_12:
0xce: {  	v25 =	vld [tilespmem:s20+$0x0];
	v26 =	vmul.f32 $1.442695020e+00, v21;
	(erf) = vpow2.f32 v23;
	[tilespmem:s18+$0x20] =	vst v20;
	v20 =	vadd.f32 v20, v24  }
0xcf: {  	s19 =	sadd.s32 $0x8, s19;
	s16 =	sadd.s32 $0x80, s16;
	v17 =	vsub.f32 v17, v16;
	v23 =	vpop (erf)  }
0xd0: {  	p0 =	slt.u32 s19, $0x30;
	v27 =	vmul.f32 $1.442695020e+00, v22;
	v24 =	vld [tilespmem:s16+$0xFFFFFFD0];
	(erf) = vpow2.f32 v26;
	[tilespmem:s18+$0x30] =	vst v23;
	v20 =	vadd.f32 v23, v20;
	s18 =	smov.u32 s17  }
0xd1: {  	s17 =	smov.u32 s16;
	v19 =	vsub.f32 v19, v16;
	v21 =	vpop (erf)  }
0xd2: {  	v17 =	vmul.f32 $1.442695020e+00, v17;
	v23 =	vld [tilespmem:s16+$0xFFFFFFE0];
	[tilespmem:s15+$0x0] =	vst v21;
	v20 =	vadd.f32 v21, v20;
	(erf) = vpow2.f32 v27;
	s15 =	smov.u32 s20  }
0xd3: {  	v21 =	vsub.f32 v25, v16;
	v22 =	vpop (erf)  }
0xd4: {  	v19 =	vmul.f32 $1.442695020e+00, v19;
	v25 =	vld [tilespmem:s16+$0xFFFFFFF0];
	[tilespmem:s18+$0xFFFFFFD0] =	vst v22;
	v20 =	vadd.f32 v22, v20;
	(erf) = vpow2.f32 v17  }
0xd5: {  	v17 =	vsub.f32 v24, v16;
	v22 =	vpop (erf)  }
0xd6: {  	v27 =	vmul.f32 $1.442695020e+00, v21;
	v24 =	vld [tilespmem:s16+$0x0];
	[tilespmem:s18+$0xFFFFFFE0] =	vst v22;
	v20 =	vadd.f32 v22, v20;
	(erf) = vpow2.f32 v19  }
0xd7: {  	v19 =	vsub.f32 v23, v16;
	v22 =	vpop (erf)  }
0xd8: {  	v23 =	vmul.f32 $1.442695020e+00, v17;
	v26 =	vld [tilespmem:s16+$0x10];
	(erf) = vpow2.f32 v27;
	[tilespmem:s18+$0xFFFFFFF0] =	vst v22;
	v20 =	vadd.f32 v22, v20  }
.Ltmp4:
0xd9: {  	v22 =	vsub.f32 v25, v16;
	v21 =	vpop (erf);
	(pc) =	sbr.rel @p0 .LBB2_12-.Ltmp4, $4  }
0xda: {  	v25 =	vmul.f32 $1.442695020e+00, v19;
	v17 =	vld [tilespmem:s16+$0x20];
	(erf) = vpow2.f32 v23;
	[tilespmem:s18+$0x0] =	vst v21;
	v27 =	vadd.f32 v21, v20  }
0xdb: {  	v21 =	vsub.f32 v24, v16;
	v24 =	vpop (erf)  }
0xdc: {  	v23 =	vmul.f32 $1.442695020e+00, v22;
	v19 =	vld [tilespmem:s16+$0x30];
	(erf) = vpow2.f32 v25;
	[tilespmem:s18+$0x10] =	vst v24;
	v24 =	vadd.f32 v24, v27  }
0xdd: {  	s20 =	sadd.s32 $0x80, s20;
	v22 =	vsub.f32 v26, v16;
	v20 =	vpop (erf)  }
0xde: {  	v21 =	vmul.f32 $1.442695020e+00, v21;
	(erf) = vpow2.f32 v23;
	v58 =	vadd.f32 v20, v24  }
0xdf: {  	v17 =	vsub.f32 v17, v16;
	v59 =	vpop (erf)  }
0xe0: {  	v22 =	vmul.f32 $1.442695020e+00, v22;
	(erf) = vpow2.f32 v21;
	v60 =	vadd.f32 v59, v58  }
0xe1: {  	v19 =	vsub.f32 v19, v16;
	v61 =	vpop (erf);
	v17 =	vmul.f32 $1.442695020e+00, v17  }
0xe2: {  	(erf) = vpow2.f32 v22;
	v21 =	vadd.f32 v61, v60  }
0xe3: {  	v62 =	vpop (erf);
	v19 =	vmul.f32 $1.442695020e+00, v19  }
0xe4: {  	v21 =	vadd.f32 v62, v21  }
0xe5: {  	(erf) = vpow2.f32 v17;
	v17 =	vpop (erf)  }
0xe6: {  	v21 =	vadd.f32 v17, v21  }
0xe7: {  	(erf) = vpow2.f32 v19;
	v19 =	vpop (erf)  }
0xe8: {  	[tilespmem:s18+$0x20] =	vst v20;
	v20 =	vadd.f32 v19, v21  }
0xe9: {  	[tilespmem:s18+$0x30] =	vst v59;
	v63 =	vpop (erf)  }
0xea: {  	[tilespmem:s15+$0x0] =	vst v61;
	v20 =	vadd.f32 v63, v20  }
0xeb: {  	[tilespmem:s17+$0xFFFFFFE0] =	vst v17;
	v17 =	vpop (erf)  }
0xec: {  	[tilespmem:s17+$0xFFFFFFF0] =	vst v19;
	v19 =	vadd.f32 v17, v20  }
0xed: {  	[tilespmem:s17+$0xFFFFFFD0] =	vst v62  }
0xee: {  	[tilespmem:s17+$0x0] =	vst v63;
	v20 =	vpop (erf)  }
0xef: {  	[tilespmem:s17+$0x10] =	vst v17;
	v17 =	vadd.f32 v20, v19  }
0xf0: {  	[tilespmem:s17+$0x20] =	vst v20;
	v19 =	vpop (erf)  }
0xf1: {  	s15 =	simm.s32 $0x0;
	[tilespmem:s17+$0x30] =	vst v19;
	v17 =	vadd.f32 v19, v17  }
.LBB2_14:
0xf2: {  	s16 =	sshra.s32 s15, $0x2  }
0xf3: {  	s16 =	sadd.s32 s16, s3  }
0xf4: {  	v19 =	vld [tilespmem:s16+$0x0];
	_ =	sdelay $0x4  }
0xf5: {  	v19 =	vsub.f32 v19, v16;
	_ =	sdelay $0x1  }
0xf6: {  	v19 =	vmul.f32 $1.442695020e+00, v19;
	_ =	sdelay $0x1  }
0xf7: {  	(erf) = vpow2.f32 v19;
	_ =	sdelay $0x4  }
0xf8: {  	p0 =	seq.s32 s15, $0x140  }
.Ltmp5:
0xf9: {  	_ = 	snop;
	(pc) =	sbr.rel @!p0 .LBB2_14-.Ltmp5, $3  }
0xfa: {  	_ =	sdelay $0x1  }
0xfb: {  	v19 =	vpop (erf)  }
0xfc: {  	s15 =	sadd.s32 $0x40, s15;
	[tilespmem:s16+$0x0] =	vst v19;
	v17 =	vadd.f32 v19, v17  }
0xfd: {  	v19 =	vsel vm0, $0xFF800000, v15  }
0xfe: {  	v18 =	vmax.f32 v18, v19  }
0xff: {  	(xrf0) =	vmax.scan.msk.f32 $0xffff, v18;
	_ =	sdelay $0x3  }
0x100: {  	v20 =	vld [tilespmem:s14+$0x0];
	_ =	sdelay $0x1  }
0x101: {  	v21 =	vld [tilespmem:s4+$0xFFFFFFA0];
	v18, _, _ =	vpop (xrf0)  }
0x102: {  	v18 =	vbroadcast v18, $0xF  }
0x103: {  	v22 =	vld [tilespmem:s4+$0xFFFFFFB0]  }
0x104: {  	v23 =	vld [tilespmem:s4+$0xFFFFFFC0];
	v20 =	vsub.f32 v20, v18;
	_ =	sdelay $0x1  }
0x105: {  	v24 =	vld [tilespmem:s4+$0xFFFFFFD0];
	v21 =	vsub.f32 v21, v18;
	v20 =	vmul.f32 $1.442695020e+00, v20;
	_ =	sdelay $0x1  }
0x106: {  	v22 =	vsub.f32 v22, v18;
	v21 =	vmul.f32 $1.442695020e+00, v21;
	(erf) = vpow2.f32 v20  }
0x107: {  	v23 =	vsub.f32 v23, v18;
	v20 =	vld [tilespmem:s4+$0xFFFFFFE0]  }
0x108: {  	v25 =	vld [tilespmem:s4+$0xFFFFFFF0];
	v22 =	vmul.f32 $1.442695020e+00, v22;
	(erf) = vpow2.f32 v21  }
0x109: {  	v23 =	vmul.f32 $1.442695020e+00, v23;
	v21 =	vsub.f32 v24, v18  }
0x10a: {  	(erf) = vpow2.f32 v22  }
0x10b: {  	v21 =	vmul.f32 $1.442695020e+00, v21;
	(erf) = vpow2.f32 v23;
	v23 =	vld [tilespmem:s4+$0x0]  }
0x10c: {  	s15 =	sadd.s32 $0x80, s14;
	v20 =	vsub.f32 v20, v18  }
0x10d: {  	s16 =	sadd.s32 $0x80, s4;
	v22 =	vsub.f32 v25, v18;
	(erf) = vpow2.f32 v21;
	v21 =	vld [tilespmem:s15+$0x0]  }
0x10e: {  	v25 =	vld [tilespmem:s16+$0xFFFFFFA0];
	v20 =	vmul.f32 $1.442695020e+00, v20  }
0x10f: {  	v19 =	vimm.f32 $0.0e+00;
	v22 =	vmul.f32 $1.442695020e+00, v22;
	v24 =	vpop (erf)  }
0x110: {  	v23 =	vsub.f32 v23, v18;
	(erf) = vpow2.f32 v20;
	v20 =	vld [tilespmem:s16+$0xFFFFFFB0];
	v19 =	vadd.f32 v24, v19  }
0x111: {  	v26 =	vpop (erf);
	(erf) = vpow2.f32 v22  }
0x112: {  	v22 =	vld [tilespmem:s16+$0xFFFFFFC0];
	v21 =	vsub.f32 v21, v18;
	v23 =	vmul.f32 $1.442695020e+00, v23;
	v19 =	vadd.f32 v26, v19  }
0x113: {  	[tilespmem:s14+$0x0] =	vst v24;
	v24 =	vsub.f32 v25, v18;
	v27 =	vpop (erf)  }
0x114: {  	v25 =	vpop (erf);
	v21 =	vmul.f32 $1.442695020e+00, v21;
	(erf) = vpow2.f32 v23;
	v19 =	vadd.f32 v27, v19  }
0x115: {  	v28 =	vld [tilespmem:s16+$0xFFFFFFD0];
	v23 =	vmul.f32 $1.442695020e+00, v24;
	v20 =	vsub.f32 v20, v18  }
0x116: {  	v29 =	vld [tilespmem:s16+$0xFFFFFFE0];
	(erf) = vpow2.f32 v21;
	v19 =	vadd.f32 v25, v19  }
0x117: {  	[tilespmem:s4+$0xFFFFFFA0] =	vst v26;
	v24 =	vsub.f32 v22, v18;
	v22 =	vpop (erf);
	v21 =	vmul.f32 $1.442695020e+00, v20  }
0x118: {  	[tilespmem:s4+$0xFFFFFFC0] =	vst v25;
	(erf) = vpow2.f32 v23;
	v20 =	vld [tilespmem:s16+$0xFFFFFFF0];
	v25 =	vadd.f32 v22, v19  }
0x119: {  	[tilespmem:s4+$0xFFFFFFB0] =	vst v27;
	v24 =	vmul.f32 $1.442695020e+00, v24;
	v23 =	vpop (erf)  }
0x11a: {  	s18 =	simm.s32 $0x8;
	[tilespmem:s4+$0xFFFFFFD0] =	vst v22;
	v22 =	vsub.f32 v28, v18;
	v19 =	vld [tilespmem:s16+$0x0];
	(erf) = vpow2.f32 v21;
	v25 =	vadd.f32 v23, v25  }
0x11b: {  	s17 =	smov.u32 s4;
	s19 =	sadd.s32 $0x80, s15;
	s14 =	smov.u32 s16;
	[tilespmem:s4+$0xFFFFFFE0] =	vst v23;
	v23 =	vsub.f32 v29, v18;
	v21 =	vpop (erf)  }
.LBB2_16:
0x11c: {  	v26 =	vld [tilespmem:s19+$0x0];
	v27 =	vmul.f32 $1.442695020e+00, v22;
	(erf) = vpow2.f32 v24;
	[tilespmem:s17+$0xFFFFFFF0] =	vst v21;
	v21 =	vadd.f32 v21, v25  }
0x11d: {  	s18 =	sadd.s32 $0x8, s18;
	s16 =	sadd.s32 $0x80, s16;
	v20 =	vsub.f32 v20, v18;
	v24 =	vpop (erf)  }
0x11e: {  	p0 =	slt.u32 s18, $0x30;
	v28 =	vmul.f32 $1.442695020e+00, v23;
	v25 =	vld [tilespmem:s16+$0xFFFFFFA0];
	(erf) = vpow2.f32 v27;
	[tilespmem:s17+$0x0] =	vst v24;
	v21 =	vadd.f32 v24, v21;
	s17 =	smov.u32 s14  }
0x11f: {  	s14 =	smov.u32 s16;
	v19 =	vsub.f32 v19, v18;
	v22 =	vpop (erf)  }
0x120: {  	v20 =	vmul.f32 $1.442695020e+00, v20;
	v24 =	vld [tilespmem:s16+$0xFFFFFFB0];
	[tilespmem:s15+$0x0] =	vst v22;
	v21 =	vadd.f32 v22, v21;
	(erf) = vpow2.f32 v28;
	s15 =	smov.u32 s19  }
0x121: {  	v22 =	vsub.f32 v26, v18;
	v23 =	vpop (erf)  }
0x122: {  	v19 =	vmul.f32 $1.442695020e+00, v19;
	v26 =	vld [tilespmem:s16+$0xFFFFFFC0];
	[tilespmem:s17+$0xFFFFFFA0] =	vst v23;
	v21 =	vadd.f32 v23, v21;
	(erf) = vpow2.f32 v20  }
0x123: {  	v20 =	vsub.f32 v25, v18;
	v23 =	vpop (erf)  }
0x124: {  	v28 =	vmul.f32 $1.442695020e+00, v22;
	v25 =	vld [tilespmem:s16+$0xFFFFFFD0];
	[tilespmem:s17+$0xFFFFFFB0] =	vst v23;
	v21 =	vadd.f32 v23, v21;
	(erf) = vpow2.f32 v19  }
0x125: {  	v19 =	vsub.f32 v24, v18;
	v23 =	vpop (erf)  }
0x126: {  	v24 =	vmul.f32 $1.442695020e+00, v20;
	v27 =	vld [tilespmem:s16+$0xFFFFFFE0];
	(erf) = vpow2.f32 v28;
	[tilespmem:s17+$0xFFFFFFC0] =	vst v23;
	v21 =	vadd.f32 v23, v21  }
.Ltmp6:
0x127: {  	v23 =	vsub.f32 v26, v18;
	v22 =	vpop (erf);
	(pc) =	sbr.rel @p0 .LBB2_16-.Ltmp6, $4  }
0x128: {  	v26 =	vmul.f32 $1.442695020e+00, v19;
	v20 =	vld [tilespmem:s16+$0xFFFFFFF0];
	(erf) = vpow2.f32 v24;
	[tilespmem:s17+$0xFFFFFFD0] =	vst v22;
	v28 =	vadd.f32 v22, v21  }
0x129: {  	v22 =	vsub.f32 v25, v18;
	v25 =	vpop (erf)  }
0x12a: {  	v24 =	vmul.f32 $1.442695020e+00, v23;
	v19 =	vld [tilespmem:s16+$0x0];
	(erf) = vpow2.f32 v26;
	[tilespmem:s17+$0xFFFFFFE0] =	vst v25;
	v25 =	vadd.f32 v25, v28  }
0x12b: {  	s19 =	sadd.s32 $0x80, s19;
	v23 =	vsub.f32 v27, v18;
	v21 =	vpop (erf)  }
0x12c: {  	v22 =	vmul.f32 $1.442695020e+00, v22;
	(erf) = vpow2.f32 v24;
	v56 =	vadd.f32 v21, v25  }
0x12d: {  	v20 =	vsub.f32 v20, v18;
	v57 =	vpop (erf)  }
0x12e: {  	v23 =	vmul.f32 $1.442695020e+00, v23;
	(erf) = vpow2.f32 v22;
	v58 =	vadd.f32 v57, v56  }
0x12f: {  	v19 =	vsub.f32 v19, v18;
	v59 =	vpop (erf);
	v20 =	vmul.f32 $1.442695020e+00, v20  }
0x130: {  	(erf) = vpow2.f32 v23;
	v22 =	vadd.f32 v59, v58  }
0x131: {  	v60 =	vpop (erf);
	v19 =	vmul.f32 $1.442695020e+00, v19  }
0x132: {  	(erf) = vpow2.f32 v20;
	v22 =	vadd.f32 v60, v22  }
0x133: {  	v20 =	vpop (erf)  }
0x134: {  	(erf) = vpow2.f32 v19;
	v22 =	vadd.f32 v20, v22  }
0x135: {  	[tilespmem:s17+$0xFFFFFFF0] =	vst v21;
	v19 =	vpop (erf)  }
0x136: {  	[tilespmem:s17+$0x0] =	vst v57;
	v61 =	vadd.f32 v19, v22  }
0x137: {  	[tilespmem:s15+$0x0] =	vst v59;
	v62 =	vpop (erf)  }
0x138: {  	[tilespmem:s14+$0xFFFFFFA0] =	vst v60;
	v21 =	vadd.f32 v62, v61  }
0x139: {  	[tilespmem:s14+$0xFFFFFFB0] =	vst v20;
	v20 =	vpop (erf)  }
0x13a: {  	[tilespmem:s14+$0xFFFFFFC0] =	vst v19;
	v19 =	vadd.f32 v20, v21  }
0x13b: {  	[tilespmem:s14+$0xFFFFFFD0] =	vst v62;
	v63 =	vpop (erf)  }
0x13c: {  	[tilespmem:s14+$0xFFFFFFE0] =	vst v20;
	v19 =	vadd.f32 v63, v19  }
0x13d: {  	[tilespmem:s14+$0xFFFFFFF0] =	vst v63;
	v20 =	vpop (erf)  }
0x13e: {  	[tilespmem:s14+$0x0] =	vst v20;
	s14 =	simm.s32 $0x0;
	v30 =	vadd.f32 v20, v19  }
.LBB2_18:
0x13f: {  	s15 =	sshra.s32 s14, $0x2  }
0x140: {  	s15 =	sadd.s32 s15, s5  }
0x141: {  	v19 =	vld [tilespmem:s15+$0x0];
	_ =	sdelay $0x4  }
0x142: {  	v19 =	vsub.f32 v19, v18;
	_ =	sdelay $0x1  }
0x143: {  	v19 =	vmul.f32 $1.442695020e+00, v19;
	_ =	sdelay $0x1  }
0x144: {  	(erf) = vpow2.f32 v19;
	_ =	sdelay $0x4  }
0x145: {  	p0 =	sne.s32 s14, $0x140  }
.Ltmp7:
0x146: {  	_ = 	snop;
	(pc) =	sbr.rel @p0 .LBB2_18-.Ltmp7, $3  }
0x147: {  	_ =	sdelay $0x1  }
0x148: {  	v19 =	vpop (erf)  }
0x149: {  	s14 =	sadd.s32 $0x40, s14;
	[tilespmem:s15+$0x0] =	vst v19;
	v30 =	vadd.f32 v19, v30  }
0x14a: {  	v16 =	vsel vm0, v16, v18  }
0x14b: {  	v15 =	vsub.f32 v15, v16;
	_ =	sdelay $0x1  }
0x14c: {  	v15 =	vmul.f32 $1.442695020e+00, v15  }
0x14d: {  	_ =	strace $0x90000049  }
0x14e: {  	(erf) = vpow2.f32 v15;
	_ =	sdelay $0x8  }
0x14f: {  	v15 =	vpop (erf)  }
0x150: {  	(xrf2) =	vadd.scan.msk.f32 $0xffff, v17;
	v16 =	vnsel vm0, $0x0, v15  }
0x151: {  	(xrf2) =	vadd.scan.msk.f32 $0xffff, v16;
	_ =	sdelay $0x8  }
0x152: {  	v16, _, _ =	vpop (xrf2)  }
0x153: {  	(v2sf) =	vpush v16, $0xF;
	v16, _, _ =	vpop (xrf2)  }
0x154: {  	(v2sf) =	vpush v16, $0xF;
	_ =	sdelay $0x8  }
0x155: {  	s7 =	rddreg [dreg:$0xb]  }
0x156: {  	s22 =	rddreg [dreg:$0xc]  }
0x157: {  	s23 =	rddreg [dreg:$0xd]  }
0x158: {  	s24 =	sld [smem:$0x7FC]  }
0x159: {  	s25 =	sld [smem:$0x7FA]  }
0x15a: {  	s10 =	sld [smem:$0x7FB];
	s14 =	spop (v2sf)  }
0x15b: {  	s21 =	sld [smem:$0x7F8];
	s15 =	spop (v2sf)  }
0x15c: {  	s14 =	sadd.f32 s14, s15  }
0x15d: {  	p0 =	seq.s32 s24, $0x1;
	s24 =	rddreg [dreg:$0x10]  }
0x15e: {  	s15 =	smul.f32 s14, s26;
	s26 =	rddreg [dreg:$0xe]  }
0x15f: {  	s16 =	smul.f32 s14, s28;
	s28 =	sld [smem:$0x7FD]  }
0x160: {  	s18 =	smul.f32 s14, s22;
	s22 =	rddreg [dreg:$0xf]  }
0x161: {  	s19 =	smul.f32 s14, s23;
	s23 =	sld [smem:$0x7F9]  }
0x162: {  	s20 =	smul.f32 s14, s26;
	s26 =	rddreg [dreg:$0x11]  }
0x163: {  	s18 =	simm.s32 @p0 $0x7F800000;
	p0 =	seq.s32 s25, $0x1;
	s25 =	sld [smem:$0x7F6]  }
0x164: {  	s19 =	simm.s32 @p0 $0x7F800000;
	p0 =	seq.s32 s28, $0x1;
	s28 =	sld [smem:$0x7F7]  }
0x165: {  	s18 =	simm.s32 @p0 $0xFF800000;
	p0 =	seq.s32 s10, $0x1;
	s10 =	sld [smem:$0x7F4]  }
0x166: {  	s19 =	simm.s32 @p0 $0xFF800000;
	p0 =	seq.s32 s21, $0x1;
	s21 =	smul.f32 s14, s22  }
0x167: {  	[tilespmem:s29+$0x3E0] =	vst v15;
	s29 =	sshra.s32 s8, $0x2;
	s22 =	smul.f32 s14, s24;
	s24 =	sld [smem:$0x7F2]  }
0x168: {  	s20 =	simm.s32 @p0 $0x7F800000;
	p0 =	seq.s32 s23, $0x1;
	s23 =	smul.f32 s14, s26  }
0x169: {  	s26 =	sld [smem:$0x7F5];
	s20 =	simm.s32 @p0 $0xFF800000;
	p0 =	seq.s32 s25, $0x1  }
0x16a: {  	s25 =	rddreg [dreg:$0x12];
	s21 =	simm.s32 @p0 $0x7F800000;
	p0 =	seq.s32 s28, $0x1  }
0x16b: {  	s28 =	sld [smem:$0x7F3];
	s21 =	simm.s32 @p0 $0xFF800000;
	p0 =	seq.s32 s10, $0x1  }
0x16c: {  	s10 =	sld [smem:$0x7F0];
	s22 =	simm.s32 @p0 $0x7F800000;
	p0 =	seq.s32 s24, $0x1  }
0x16d: {  	s24 =	smul.f32 s14, s25;
	s23 =	simm.s32 @p0 $0x7F800000;
	p0 =	seq.s32 s26, $0x1  }
0x16e: {  	s26 =	sld [smem:$0x7F1];
	s22 =	simm.s32 @p0 $0xFF800000;
	p0 =	seq.s32 s28, $0x1  }
0x16f: {  	s25 =	rddreg [dreg:$0x13];
	s23 =	simm.s32 @p0 $0xFF800000;
	p0 =	seq.s32 s10, $0x1  }
0x170: {  	s28 =	rddreg [dreg:$0x14];
	_ =	strace $0x8000004A;
	s24 =	simm.s32 @p0 $0x7F800000  }
0x171: {  	p0 =	seq.s32 s26, $0x1;
	s26 =	smul.f32 s14, s28;
	s28 =	sadd.s32 $0x0, s29  }
0x172: {  	v38 =	vld [tilespmem:s28+$0x30]  }
0x173: {  	s16 =	simm.s32 @p3 $0x7F800000;
	v32 =	vld [tilespmem:s28+$0xFFFFFFD0]  }
0x174: {  	s17 =	smul.f32 s14, s7;
	s16 =	simm.s32 @p4 $0xFF800000;
	s10 =	sld [smem:$0x7EE];
	v33 =	vld [tilespmem:s28+$0xFFFFFFE0]  }
0x175: {  	s15 =	simm.s32 @p5 $0x7F800000;
	v28 =	vmov s16;
	s16 =	sld [smem:$0x7EC];
	v34 =	vld [tilespmem:s28+$0xFFFFFFF0]  }
0x176: {  	s17 =	simm.s32 @p1 $0x7F800000;
	v25 =	vmov s19;
	s25 =	smul.f32 s14, s25;
	s19 =	sld [smem:$0x7EF];
	v35 =	vld [tilespmem:s28+$0x0]  }
0x177: {  	s15 =	simm.s32 @p6 $0xFF800000;
	s24 =	simm.s32 @p0 $0xFF800000;
	v36 =	vld [tilespmem:s28+$0x10];
	p0 =	seq.s32 s10, $0x1  }
0x178: {  	s17 =	simm.s32 @p2 $0xFF800000;
	v27 =	vmov s15;
	v37 =	vld [tilespmem:s28+$0x20];
	s25 =	simm.s32 @p0 $0x7F800000;
	p0 =	seq.s32 s16, $0x1  }
0x179: {  	v26 =	vmov s17;
	v29 =	vmov s18;
	v23 =	vmov s20;
	s26 =	simm.s32 @p0 $0x7F800000;
	p0 =	seq.s32 s19, $0x1  }
0x17a: {  	v24 =	vmov s21;
	v22 =	vmov s22;
	v20 =	vmov s23;
	s25 =	simm.s32 @p0 $0xFF800000  }
0x17b: {  	s20 =	sld [smem:$0x7ED];
	v21 =	vmov s24;
	v19 =	vmov s25;
	vm1 =	vge.f32 v38, v27  }
0x17c: {  	vm3 =	vge.f32 v32, v27;
	vm4 =	vge.f32 v33, v27;
	vm5 =	vge.f32 v34, v27  }
0x17d: {  	vm6 =	vge.f32 v35, v27;
	vm7 =	vge.f32 v36, v27;
	vm8 =	vge.f32 v37, v27  }
0x17e: {  	p0 =	seq.s32 s20, $0x1;
	vm12 =	vge.f32 v36, v28;
	vm13 =	vge.f32 v37, v26;
	vm14 =	vge.f32 v36, v29  }
0x17f: {  	s26 =	simm.s32 @p0 $0xFF800000;
	vm15 =	vge.f32 v36, v25;
	vm9 =	vge.f32 v37, v23;
	vm10 =	vge.f32 v36, v24  }
0x180: {  	s30 =	sshra.s32 s30, $0x2;
	s10 =	rddreg [dreg:$0x15];
	vm11 =	vge.f32 v36, v22;
	v17 =	vmov s26;
	v39 =	vsel vm1, v1, v0  }
0x181: {  	s7 =	smul.f32 s14, s10;
	s10 =	sadd.s32 $0x0, s30;
	vm1 =	vge.f32 v38, v28;
	v41 =	vsel vm3, v1, v0;
	v42 =	vsel vm4, v1, v0  }
0x182: {  	v31 =	vld [tilespmem:s10+$0x0];
	v43 =	vsel vm5, v1, v0;
	v44 =	vsel vm6, v1, v0;
	v45 =	vsel vm7, v1, v0  }
0x183: {  	v46 =	vsel vm8, v1, v0;
	vm3 =	vge.f32 v33, v28;
	vm4 =	vge.f32 v34, v28  }
0x184: {  	s17 =	rddreg [dreg:$0x16];
	vm5 =	vge.f32 v35, v28;
	v39 =	vsel vm1, v2, v39;
	vm1 =	vge.f32 v38, v26  }
0x185: {  	s22 =	sld [smem:$0x7EA];
	v58 =	vsel vm3, v2, v42;
	v59 =	vsel vm4, v2, v43;
	v60 =	vsel vm5, v2, v44  }
0x186: {  	s23 =	sld [smem:$0x7E8];
	v61 =	vsel vm12, v2, v45;
	vm3 =	vge.f32 v32, v26;
	vm4 =	vge.f32 v34, v26  }
0x187: {  	s25 =	sld [smem:$0x7EB];
	vm5 =	vge.f32 v35, v26;
	vm12 =	vge.f32 v37, v20;
	vm2 =	vge.f32 v31, v27  }
0x188: {  	s10 =	smul.f32 s14, s17;
	p0 =	seq.s32 s22, $0x1;
	v39 =	vsel vm1, v3, v39;
	vm1 =	vge.f32 v38, v29;
	v42 =	vsel vm4, v3, v59  }
0x189: {  	s7 =	simm.s32 @p0 $0x7F800000;
	p0 =	seq.s32 s23, $0x1;
	v43 =	vsel vm5, v3, v60;
	vm4 =	vge.f32 v34, v29;
	vm5 =	vge.f32 v35, v29  }
0x18a: {  	s26 =	sld [smem:$0x7E9];
	s10 =	simm.s32 @p0 $0x7F800000;
	p0 =	seq.s32 s25, $0x1;
	v39 =	vsel vm1, v4, v39;
	vm1 =	vge.f32 v38, v25;
	v40 =	vsel vm2, v1, v0  }
0x18b: {  	s7 =	simm.s32 @p0 $0xFF800000;
	vm2 =	vge.f32 v31, v28;
	v42 =	vsel vm4, v4, v42;
	v43 =	vsel vm5, v4, v43  }
0x18c: {  	vm4 =	vge.f32 v34, v25;
	vm5 =	vge.f32 v35, v25;
	v18 =	vmov s7  }
0x18d: {  	p0 =	seq.s32 s26, $0x1;
	v39 =	vsel vm1, v5, v39;
	vm1 =	vge.f32 v38, v23;
	v56 =	vsel vm2, v2, v40  }
0x18e: {  	s10 =	simm.s32 @p0 $0xFF800000;
	vm2 =	vge.f32 v37, v28;
	v42 =	vsel vm4, v5, v42;
	v43 =	vsel vm5, v5, v43  }
0x18f: {  	vm4 =	vge.f32 v34, v23;
	vm5 =	vge.f32 v35, v23;
	v16 =	vmov s10  }
0x190: {  	v39 =	vsel vm1, v6, v39;
	vm1 =	vge.f32 v38, v24;
	v62 =	vsel vm2, v2, v46  }
0x191: {  	vm2 =	vge.f32 v33, v26;
	v42 =	vsel vm4, v6, v42;
	v43 =	vsel vm5, v6, v43  }
0x192: {  	vm4 =	vge.f32 v34, v24;
	vm5 =	vge.f32 v35, v24;
	v39 =	vsel vm1, v7, v39  }
0x193: {  	vm1 =	vge.f32 v38, v22;
	v45 =	vsel vm13, v3, v62;
	v42 =	vsel vm4, v7, v42  }
0x194: {  	v43 =	vsel vm5, v7, v43;
	vm4 =	vge.f32 v34, v22;
	vm5 =	vge.f32 v35, v22  }
0x195: {  	vm13 =	vge.f32 v36, v21;
	v39 =	vsel vm1, v8, v39;
	vm1 =	vge.f32 v38, v20  }
0x196: {  	v42 =	vsel vm4, v8, v42;
	v43 =	vsel vm5, v8, v43;
	vm4 =	vge.f32 v34, v20  }
0x197: {  	vm5 =	vge.f32 v35, v20;
	v39 =	vsel vm1, v9, v39;
	vm1 =	vge.f32 v38, v21  }
0x198: {  	v42 =	vsel vm4, v9, v42;
	v43 =	vsel vm5, v9, v43;
	vm4 =	vge.f32 v34, v21  }
0x199: {  	vm5 =	vge.f32 v35, v21;
	v39 =	vsel vm1, v10, v39;
	vm1 =	vge.f32 v38, v19  }
0x19a: {  	v42 =	vsel vm4, v10, v42;
	v43 =	vsel vm5, v10, v43;
	vm4 =	vge.f32 v34, v19  }
0x19b: {  	vm5 =	vge.f32 v35, v19;
	v39 =	vsel vm1, v11, v39;
	vm1 =	vge.f32 v38, v17  }
0x19c: {  	v42 =	vsel vm4, v11, v42;
	v39 =	vsel vm1, v12, v39;
	vm1 =	vge.f32 v38, v18  }
0x19d: {  	v63 =	vsel vm5, v11, v43;
	v39 =	vsel vm1, v13, v39;
	vm1 =	vge.f32 v38, v16  }
0x19e: {  	vm4 =	vge.f32 v34, v17;
	v38 =	vsel vm1, v14, v39;
	vm1 =	vge.f32 v32, v28  }
0x19f: {  	vm5 =	vge.f32 v35, v17;
	v57 =	vsel vm1, v2, v41;
	vm1 =	vge.f32 v31, v26  }
0x1a0: {  	v41 =	vsel vm2, v3, v58;
	vm2 =	vge.f32 v32, v29;
	v39 =	vsel vm1, v3, v56  }
0x1a1: {  	vm1 =	vge.f32 v36, v26;
	v40 =	vsel vm3, v3, v57;
	vm3 =	vge.f32 v33, v29  }
0x1a2: {  	v44 =	vsel vm1, v3, v61;
	vm1 =	vge.f32 v31, v29;
	v40 =	vsel vm2, v4, v40  }
0x1a3: {  	v41 =	vsel vm3, v4, v41;
	vm2 =	vge.f32 v31, v25;
	vm3 =	vge.f32 v33, v25  }
0x1a4: {  	v39 =	vsel vm1, v4, v39;
	vm1 =	vge.f32 v37, v29;
	v44 =	vsel vm14, v4, v44  }
0x1a5: {  	v41 =	vsel vm3, v5, v41;
	vm3 =	vge.f32 v32, v23;
	vm14 =	vge.f32 v36, v19  }
0x1a6: {  	v45 =	vsel vm1, v4, v45;
	vm1 =	vge.f32 v32, v25;
	v39 =	vsel vm2, v5, v39  }
0x1a7: {  	vm2 =	vge.f32 v37, v25;
	v44 =	vsel vm15, v5, v44;
	vm15 =	vge.f32 v37, v17  }
0x1a8: {  	v40 =	vsel vm1, v5, v40;
	vm1 =	vge.f32 v31, v23;
	v45 =	vsel vm2, v5, v45  }
0x1a9: {  	vm2 =	vge.f32 v33, v23;
	v39 =	vsel vm1, v6, v39;
	vm1 =	vge.f32 v36, v23  }
0x1aa: {  	v40 =	vsel vm3, v6, v40;
	v41 =	vsel vm2, v6, v41;
	v45 =	vsel vm9, v6, v45  }
0x1ab: {  	vm2 =	vge.f32 v32, v24;
	vm3 =	vge.f32 v33, v24;
	v44 =	vsel vm1, v6, v44  }
0x1ac: {  	vm1 =	vge.f32 v31, v24;
	v40 =	vsel vm2, v7, v40;
	v41 =	vsel vm3, v7, v41  }
0x1ad: {  	vm2 =	vge.f32 v31, v22;
	vm3 =	vge.f32 v33, v22;
	v39 =	vsel vm1, v7, v39  }
0x1ae: {  	vm1 =	vge.f32 v37, v24;
	v44 =	vsel vm10, v7, v44;
	v41 =	vsel vm3, v8, v41  }
0x1af: {  	vm3 =	vge.f32 v32, v20;
	v45 =	vsel vm1, v7, v45;
	vm1 =	vge.f32 v32, v22  }
0x1b0: {  	v39 =	vsel vm2, v8, v39;
	vm2 =	vge.f32 v37, v22;
	v44 =	vsel vm11, v8, v44  }
0x1b1: {  	v40 =	vsel vm1, v8, v40;
	vm1 =	vge.f32 v31, v20;
	v45 =	vsel vm2, v8, v45  }
0x1b2: {  	vm2 =	vge.f32 v33, v20;
	v39 =	vsel vm1, v9, v39;
	vm1 =	vge.f32 v36, v20  }
0x1b3: {  	v40 =	vsel vm3, v9, v40;
	v41 =	vsel vm2, v9, v41;
	v45 =	vsel vm12, v9, v45  }
0x1b4: {  	vm2 =	vge.f32 v32, v21;
	vm3 =	vge.f32 v33, v21;
	v44 =	vsel vm1, v9, v44  }
0x1b5: {  	vm1 =	vge.f32 v31, v21;
	v40 =	vsel vm2, v10, v40;
	v41 =	vsel vm3, v10, v41  }
0x1b6: {  	vm2 =	vge.f32 v31, v19;
	vm3 =	vge.f32 v33, v19;
	v39 =	vsel vm1, v10, v39  }
0x1b7: {  	vm1 =	vge.f32 v37, v21;
	v44 =	vsel vm13, v10, v44;
	v41 =	vsel vm3, v11, v41  }
0x1b8: {  	vm3 =	vge.f32 v32, v17;
	v45 =	vsel vm1, v10, v45;
	vm1 =	vge.f32 v32, v19  }
0x1b9: {  	v39 =	vsel vm2, v11, v39;
	vm2 =	vge.f32 v37, v19;
	v47 =	vsel vm14, v11, v44  }
0x1ba: {  	v40 =	vsel vm1, v11, v40;
	vm1 =	vge.f32 v31, v17;
	v48 =	vsel vm2, v11, v45  }
0x1bb: {  	vm2 =	vge.f32 v33, v17;
	v44 =	vsel vm1, v12, v39;
	vm1 =	vge.f32 v36, v17  }
0x1bc: {  	v45 =	vsel vm3, v12, v40;
	v43 =	vsel vm2, v12, v41;
	v41 =	vsel vm4, v12, v42  }
0x1bd: {  	s15 =	simm.s32 $0x3E80;
	s18 =	simm.s32 $0x0;
	s17 =	sadd.s32 $0x3E80, s29;
	v42 =	vsel vm5, v12, v63;
	v39 =	vsel vm15, v12, v48;
	vm2 =	vge.f32 v31, v18  }
0x1be: {  	s16 =	simm.s32 $0x0;
	s14 =	simm.s32 $0x0;
	s19 =	sadd.s32 $0x3E80, s30;
	[tilespmem:s17+$0x30] =	vst v38;
	vm3 =	vge.f32 v32, v18;
	v40 =	vsel vm1, v12, v47;
	vm1 =	vge.f32 v33, v18  }
.LBB2_20:
0x1bf: {  	vm4 =	vge.f32 v34, v18;
	vm5 =	vge.f32 v35, v18;
	vm6 =	vge.f32 v36, v18  }
0x1c0: {  	s16 =	sadd.s32 $0x8, s16;
	v38 =	vsel vm2, v13, v44;
	v44 =	vsel vm3, v13, v45;
	vm2 =	vge.f32 v37, v18;
	s18 =	sadd.s32 $0x80, s18  }
0x1c1: {  	v43 =	vsel vm1, v13, v43;
	s7 =	sadd.s32 s30, s18;
	s10 =	sadd.s32 s29, s18;
	p0 =	slt.u32 s16, $0x30;
	v41 =	vsel vm4, v13, v41;
	v42 =	vsel vm5, v13, v42  }
0x1c2: {  	vm1 =	vge.f32 v31, v16;
	v40 =	vsel vm6, v13, v40;
	v39 =	vsel vm2, v13, v39;
	v45 =	vld [tilespmem:s10+$0x30]  }
0x1c3: {  	vm3 =	vge.f32 v33, v16;
	vm2 =	vge.f32 v32, v16;
	vm4 =	vge.f32 v34, v16;
	v31 =	vld [tilespmem:s7+$0x0]  }
0x1c4: {  	vm7 =	vge.f32 v37, v16;
	vm5 =	vge.f32 v35, v16;
	vm6 =	vge.f32 v36, v16;
	v32 =	vld [tilespmem:s10+$0xFFFFFFD0]  }
0x1c5: {  	v35 =	vsel vm1, v14, v38;
	v37 =	vsel vm3, v14, v43;
	v36 =	vsel vm2, v14, v44;
	v33 =	vld [tilespmem:s10+$0xFFFFFFE0]  }
0x1c6: {  	v38 =	vsel vm4, v14, v41;
	v41 =	vsel vm5, v14, v42;
	v40 =	vsel vm6, v14, v40;
	v34 =	vld [tilespmem:s10+$0xFFFFFFF0];
	[tilespmem:s19+$0x0] =	vst v35  }
0x1c7: {  	v39 =	vsel vm7, v14, v39;
	v35 =	vld [tilespmem:s10+$0x0];
	vm2 =	vge.f32 v45, v27;
	[tilespmem:s17+$0xFFFFFFD0] =	vst v36  }
0x1c8: {  	vm3 =	vge.f32 v45, v28;
	vm1 =	vge.f32 v31, v27;
	v36 =	vld [tilespmem:s10+$0x10];
	v42 =	vsel vm2, v1, v0;
	[tilespmem:s17+$0xFFFFFFE0] =	vst v37  }
0x1c9: {  	vm2 =	vge.f32 v32, v27;
	v37 =	vld [tilespmem:s10+$0x20];
	v42 =	vsel vm3, v2, v42;
	vm3 =	vge.f32 v45, v26;
	[tilespmem:s17+$0xFFFFFFF0] =	vst v38  }
0x1ca: {  	vm4 =	vge.f32 v33, v27;
	v38 =	vsel vm3, v3, v42;
	vm3 =	vge.f32 v45, v29;
	[tilespmem:s17+$0x0] =	vst v41  }
0x1cb: {  	vm5 =	vge.f32 v34, v27;
	v38 =	vsel vm3, v4, v38;
	vm3 =	vge.f32 v45, v25;
	[tilespmem:s17+$0x10] =	vst v40  }
0x1cc: {  	vm6 =	vge.f32 v35, v27;
	v38 =	vsel vm3, v5, v38;
	vm3 =	vge.f32 v45, v23;
	[tilespmem:s17+$0x20] =	vst v39  }
0x1cd: {  	vm7 =	vge.f32 v36, v27;
	v38 =	vsel vm3, v6, v38;
	vm3 =	vge.f32 v45, v24  }
0x1ce: {  	vm8 =	vge.f32 v37, v27;
	v38 =	vsel vm3, v7, v38;
	vm3 =	vge.f32 v45, v22  }
0x1cf: {  	v39 =	vsel vm1, v1, v0;
	vm1 =	vge.f32 v45, v20;
	v38 =	vsel vm3, v8, v38  }
0x1d0: {  	v40 =	vsel vm2, v1, v0;
	v38 =	vsel vm1, v9, v38;
	vm1 =	vge.f32 v45, v21  }
0x1d1: {  	v41 =	vsel vm4, v1, v0;
	v38 =	vsel vm1, v10, v38;
	vm1 =	vge.f32 v45, v19  }
0x1d2: {  	v42 =	vsel vm5, v1, v0;
	v38 =	vsel vm1, v11, v38;
	vm1 =	vge.f32 v45, v17  }
0x1d3: {  	v43 =	vsel vm6, v1, v0;
	v38 =	vsel vm1, v12, v38;
	vm1 =	vge.f32 v45, v18  }
0x1d4: {  	s15 =	sadd.s32 $0x80, s15;
	v44 =	vsel vm7, v1, v0;
	v38 =	vsel vm1, v13, v38;
	vm1 =	vge.f32 v45, v16  }
0x1d5: {  	s19 =	sadd.s32 s30, s15;
	vm2 =	vge.f32 v31, v28;
	s17 =	sadd.s32 s29, s15;
	v45 =	vsel vm8, v1, v0;
	v38 =	vsel vm1, v14, v38  }
0x1d6: {  	vm4 =	vge.f32 v34, v28;
	vm3 =	vge.f32 v33, v28;
	vm1 =	vge.f32 v32, v28;
	[tilespmem:s17+$0x30] =	vst v38  }
0x1d7: {  	vm5 =	vge.f32 v35, v28;
	vm6 =	vge.f32 v36, v28;
	vm7 =	vge.f32 v37, v28  }
0x1d8: {  	v38 =	vsel vm2, v2, v39;
	v39 =	vsel vm1, v2, v40;
	v40 =	vsel vm3, v2, v41  }
0x1d9: {  	v41 =	vsel vm4, v2, v42;
	v42 =	vsel vm5, v2, v43;
	v43 =	vsel vm6, v2, v44  }
0x1da: {  	vm1 =	vge.f32 v31, v26;
	vm2 =	vge.f32 v32, v26;
	v44 =	vsel vm7, v2, v45  }
0x1db: {  	vm3 =	vge.f32 v33, v26;
	vm4 =	vge.f32 v34, v26;
	vm5 =	vge.f32 v35, v26  }
0x1dc: {  	vm6 =	vge.f32 v37, v26;
	v38 =	vsel vm1, v3, v38;
	vm1 =	vge.f32 v36, v26  }
0x1dd: {  	v39 =	vsel vm2, v3, v39;
	v40 =	vsel vm3, v3, v40;
	v41 =	vsel vm4, v3, v41  }
0x1de: {  	v42 =	vsel vm5, v3, v42;
	v44 =	vsel vm6, v3, v44;
	v43 =	vsel vm1, v3, v43  }
0x1df: {  	vm2 =	vge.f32 v32, v29;
	vm3 =	vge.f32 v33, v29;
	vm1 =	vge.f32 v31, v29  }
0x1e0: {  	vm4 =	vge.f32 v34, v29;
	vm5 =	vge.f32 v35, v29;
	vm6 =	vge.f32 v36, v29  }
0x1e1: {  	v39 =	vsel vm2, v4, v39;
	v38 =	vsel vm1, v4, v38;
	vm1 =	vge.f32 v37, v29  }
0x1e2: {  	v40 =	vsel vm3, v4, v40;
	v41 =	vsel vm4, v4, v41;
	v42 =	vsel vm5, v4, v42  }
0x1e3: {  	vm2 =	vge.f32 v31, v25;
	v43 =	vsel vm6, v4, v43;
	v44 =	vsel vm1, v4, v44  }
0x1e4: {  	vm3 =	vge.f32 v33, v25;
	vm4 =	vge.f32 v34, v25;
	vm1 =	vge.f32 v32, v25  }
0x1e5: {  	vm7 =	vge.f32 v37, v25;
	vm5 =	vge.f32 v35, v25;
	vm6 =	vge.f32 v36, v25  }
0x1e6: {  	v40 =	vsel vm3, v5, v40;
	v38 =	vsel vm2, v5, v38;
	v39 =	vsel vm1, v5, v39  }
0x1e7: {  	v41 =	vsel vm4, v5, v41;
	v42 =	vsel vm5, v5, v42;
	v43 =	vsel vm6, v5, v43  }
0x1e8: {  	vm2 =	vge.f32 v32, v23;
	vm1 =	vge.f32 v31, v23;
	v44 =	vsel vm7, v5, v44  }
0x1e9: {  	vm3 =	vge.f32 v33, v23;
	vm4 =	vge.f32 v34, v23;
	vm5 =	vge.f32 v35, v23  }
0x1ea: {  	vm6 =	vge.f32 v37, v23;
	v38 =	vsel vm1, v6, v38;
	vm1 =	vge.f32 v36, v23  }
0x1eb: {  	v40 =	vsel vm3, v6, v40;
	v41 =	vsel vm4, v6, v41;
	v39 =	vsel vm2, v6, v39  }
0x1ec: {  	v42 =	vsel vm5, v6, v42;
	v44 =	vsel vm6, v6, v44;
	v43 =	vsel vm1, v6, v43  }
0x1ed: {  	vm3 =	vge.f32 v33, v24;
	vm2 =	vge.f32 v32, v24;
	vm1 =	vge.f32 v31, v24  }
0x1ee: {  	vm4 =	vge.f32 v34, v24;
	vm5 =	vge.f32 v35, v24;
	vm6 =	vge.f32 v36, v24  }
0x1ef: {  	v39 =	vsel vm2, v7, v39;
	v38 =	vsel vm1, v7, v38;
	vm1 =	vge.f32 v37, v24  }
0x1f0: {  	v40 =	vsel vm3, v7, v40;
	v41 =	vsel vm4, v7, v41;
	v42 =	vsel vm5, v7, v42  }
0x1f1: {  	vm2 =	vge.f32 v31, v22;
	v43 =	vsel vm6, v7, v43;
	v44 =	vsel vm1, v7, v44  }
0x1f2: {  	vm3 =	vge.f32 v33, v22;
	vm4 =	vge.f32 v34, v22;
	vm1 =	vge.f32 v32, v22  }
0x1f3: {  	vm5 =	vge.f32 v35, v22;
	vm7 =	vge.f32 v37, v22;
	vm6 =	vge.f32 v36, v22  }
0x1f4: {  	v40 =	vsel vm3, v8, v40;
	v38 =	vsel vm2, v8, v38;
	v39 =	vsel vm1, v8, v39  }
0x1f5: {  	v41 =	vsel vm4, v8, v41;
	v42 =	vsel vm5, v8, v42;
	v43 =	vsel vm6, v8, v43  }
0x1f6: {  	vm2 =	vge.f32 v32, v20;
	vm1 =	vge.f32 v31, v20;
	v44 =	vsel vm7, v8, v44  }
0x1f7: {  	vm3 =	vge.f32 v33, v20;
	vm4 =	vge.f32 v34, v20;
	vm5 =	vge.f32 v35, v20  }
0x1f8: {  	vm6 =	vge.f32 v37, v20;
	v38 =	vsel vm1, v9, v38;
	vm1 =	vge.f32 v36, v20  }
0x1f9: {  	v40 =	vsel vm3, v9, v40;
	v41 =	vsel vm4, v9, v41;
	v39 =	vsel vm2, v9, v39  }
0x1fa: {  	v42 =	vsel vm5, v9, v42;
	v44 =	vsel vm6, v9, v44;
	v43 =	vsel vm1, v9, v43  }
0x1fb: {  	vm3 =	vge.f32 v33, v21;
	vm2 =	vge.f32 v32, v21;
	vm1 =	vge.f32 v31, v21  }
0x1fc: {  	vm4 =	vge.f32 v34, v21;
	vm5 =	vge.f32 v35, v21;
	vm6 =	vge.f32 v36, v21  }
0x1fd: {  	v39 =	vsel vm2, v10, v39;
	v38 =	vsel vm1, v10, v38;
	vm1 =	vge.f32 v37, v21  }
0x1fe: {  	v40 =	vsel vm3, v10, v40;
	v41 =	vsel vm4, v10, v41;
	v42 =	vsel vm5, v10, v42  }
0x1ff: {  	vm2 =	vge.f32 v31, v19;
	v43 =	vsel vm6, v10, v43;
	v44 =	vsel vm1, v10, v44  }
0x200: {  	vm3 =	vge.f32 v33, v19;
	vm4 =	vge.f32 v34, v19;
	vm1 =	vge.f32 v32, v19  }
0x201: {  	vm5 =	vge.f32 v35, v19;
	vm7 =	vge.f32 v37, v19;
	vm6 =	vge.f32 v36, v19  }
0x202: {  	v40 =	vsel vm3, v11, v40;
	v38 =	vsel vm2, v11, v38;
	v39 =	vsel vm1, v11, v39  }
0x203: {  	v41 =	vsel vm4, v11, v41;
	v42 =	vsel vm5, v11, v42;
	v46 =	vsel vm6, v11, v43  }
0x204: {  	vm2 =	vge.f32 v32, v17;
	vm1 =	vge.f32 v31, v17;
	v47 =	vsel vm7, v11, v44  }
.Ltmp8:
0x205: {  	vm3 =	vge.f32 v33, v17;
	vm4 =	vge.f32 v34, v17;
	vm5 =	vge.f32 v35, v17;
	(pc) =	sbr.rel @p0 .LBB2_20-.Ltmp8, $4  }
0x206: {  	vm6 =	vge.f32 v37, v17;
	v44 =	vsel vm1, v12, v38;
	vm1 =	vge.f32 v36, v17  }
0x207: {  	v41 =	vsel vm4, v12, v41;
	v43 =	vsel vm3, v12, v40;
	v45 =	vsel vm2, v12, v39  }
0x208: {  	v42 =	vsel vm5, v12, v42;
	v39 =	vsel vm6, v12, v47;
	v40 =	vsel vm1, v12, v46  }
0x209: {  	vm3 =	vge.f32 v32, v18;
	vm2 =	vge.f32 v31, v18;
	vm1 =	vge.f32 v33, v18  }
0x20a: {  	vm4 =	vge.f32 v34, v18;
	vm5 =	vge.f32 v35, v18;
	vm6 =	vge.f32 v36, v18  }
0x20b: {  	v38 =	vsel vm2, v13, v44;
	v59 =	vsel vm3, v13, v45;
	vm2 =	vge.f32 v31, v16  }
0x20c: {  	vm3 =	vge.f32 v37, v18;
	vm7 =	vge.f32 v32, v16;
	v31 =	vsel vm2, v14, v38  }
0x20d: {  	v60 =	vsel vm1, v13, v43;
	vm1 =	vge.f32 v33, v16;
	v61 =	vsel vm7, v14, v59;
	[tilespmem:s19+$0x0] =	vst v31  }
0x20e: {  	v32 =	vsel vm1, v14, v60;
	v62 =	vsel vm5, v13, v42;
	vm1 =	vge.f32 v35, v16;
	[tilespmem:s17+$0xFFFFFFD0] =	vst v61  }
0x20f: {  	vm2 =	vge.f32 v34, v16;
	v31 =	vsel vm4, v13, v41;
	[tilespmem:s17+$0xFFFFFFE0] =	vst v32;
	v33 =	vsel vm1, v14, v62  }
0x210: {  	v63 =	vsel vm6, v13, v40;
	v31 =	vsel vm2, v14, v31;
	vm2 =	vge.f32 v36, v16;
	[tilespmem:s17+$0x0] =	vst v33  }
0x211: {  	vm1 =	vge.f32 v37, v16;
	[tilespmem:s17+$0xFFFFFFF0] =	vst v31;
	v31 =	vsel vm3, v13, v39;
	v32 =	vsel vm2, v14, v63  }
0x212: {  	v31 =	vsel vm1, v14, v31;
	[tilespmem:s17+$0x10] =	vst v32  }
0x213: {  	[tilespmem:s17+$0x20] =	vst v31  }
.LBB2_22:
0x214: {  	s7 =	sshra.s32 s14, $0x2  }
0x215: {  	s10 =	sadd.s32 s7, s3  }
0x216: {  	v31 =	vld [tilespmem:s10+$0x0];
	_ =	sdelay $0x4  }
0x217: {  	vm1 =	vge.f32 v31, v27  }
0x218: {  	v32 =	vsel vm1, v1, v0;
	vm1 =	vge.f32 v31, v28  }
0x219: {  	v32 =	vsel vm1, v2, v32;
	vm1 =	vge.f32 v31, v26  }
0x21a: {  	v32 =	vsel vm1, v3, v32;
	vm1 =	vge.f32 v31, v29  }
0x21b: {  	v32 =	vsel vm1, v4, v32;
	vm1 =	vge.f32 v31, v25  }
0x21c: {  	v32 =	vsel vm1, v5, v32;
	vm1 =	vge.f32 v31, v23  }
0x21d: {  	v32 =	vsel vm1, v6, v32;
	vm1 =	vge.f32 v31, v24  }
0x21e: {  	v32 =	vsel vm1, v7, v32;
	vm1 =	vge.f32 v31, v22  }
0x21f: {  	v32 =	vsel vm1, v8, v32;
	vm1 =	vge.f32 v31, v20  }
0x220: {  	v32 =	vsel vm1, v9, v32;
	vm1 =	vge.f32 v31, v21  }
0x221: {  	p0 =	seq.s32 s14, $0x140;
	v32 =	vsel vm1, v10, v32;
	vm1 =	vge.f32 v31, v19  }
.Ltmp9:
0x222: {  	v32 =	vsel vm1, v11, v32;
	vm1 =	vge.f32 v31, v17;
	(pc) =	sbr.rel @!p0 .LBB2_22-.Ltmp9, $4  }
0x223: {  	v32 =	vsel vm1, v12, v32;
	vm1 =	vge.f32 v31, v18  }
0x224: {  	v32 =	vsel vm1, v13, v32;
	vm1 =	vge.f32 v31, v16  }
0x225: {  	s7 =	sadd.s32 s7, s13;
	v31 =	vsel vm1, v14, v32  }
0x226: {  	s14 =	sadd.s32 $0x40, s14;
	[tilespmem:s7+$0x0] =	vst v31  }
0x227: {  	(xrf2) =	vadd.scan.msk.f32 $0xffff, v30;
	v30 =	vsel vm0, $0x0, v15  }
0x228: {  	(xrf2) =	vadd.scan.msk.f32 $0xffff, v30;
	_ =	sdelay $0x8  }
0x229: {  	v30, _, _ =	vpop (xrf2)  }
0x22a: {  	(v2sf) =	vpush v30, $0xF;
	v30, _, _ =	vpop (xrf2)  }
0x22b: {  	(v2sf) =	vpush v30, $0xF;
	_ =	sdelay $0x6  }
0x22c: {  	s26 =	rddreg [dreg:$0x9]  }
0x22d: {  	s28 =	rddreg [dreg:$0xa]  }
0x22e: {  	s15 =	rddreg [dreg:$0xb]  }
0x22f: {  	s16 =	rddreg [dreg:$0xc]  }
0x230: {  	s17 =	rddreg [dreg:$0xd]  }
0x231: {  	s18 =	sld [smem:$0x7FC]  }
0x232: {  	s23 =	sld [smem:$0x7FA]  }
0x233: {  	s24 =	rddreg [dreg:$0xe];
	s7 =	spop (v2sf)  }
0x234: {  	s19 =	sld [smem:$0x7FD];
	s10 =	spop (v2sf)  }
0x235: {  	s7 =	sadd.f32 s7, s10  }
0x236: {  	s25 =	sld [smem:$0x7FB]  }
0x237: {  	s20 =	sld [smem:$0x7F8];
	s16 =	smul.f32 s7, s16  }
0x238: {  	s21 =	rddreg [dreg:$0xf];
	p0 =	seq.s32 s18, $0x1;
	s17 =	smul.f32 s7, s17  }
0x239: {  	s22 =	rddreg [dreg:$0x10];
	s16 =	simm.s32 @p0 $0x7F800000;
	p0 =	seq.s32 s23, $0x1  }
0x23a: {  	s18 =	smul.f32 s7, s24;
	s17 =	simm.s32 @p0 $0x7F800000;
	p0 =	seq.s32 s19, $0x1  }
0x23b: {  	s24 =	sld [smem:$0x7F4];
	s16 =	simm.s32 @p0 $0xFF800000;
	p0 =	seq.s32 s25, $0x1  }
0x23c: {  	s17 =	simm.s32 @p0 $0xFF800000;
	p0 =	seq.s32 s20, $0x1;
	s20 =	sld [smem:$0x7F9]  }
0x23d: {  	s19 =	smul.f32 s7, s21;
	s21 =	sld [smem:$0x7F6]  }
0x23e: {  	s23 =	rddreg [dreg:$0x11];
	s18 =	simm.s32 @p0 $0x7F800000  }
0x23f: {  	p0 =	seq.s32 s20, $0x1;
	s20 =	smul.f32 s7, s22;
	s22 =	sld [smem:$0x7F7]  }
0x240: {  	s25 =	sld [smem:$0x7F2];
	s18 =	simm.s32 @p0 $0xFF800000;
	p0 =	seq.s32 s21, $0x1  }
0x241: {  	s21 =	smul.f32 s7, s23;
	s23 =	rddreg [dreg:$0x12];
	s19 =	simm.s32 @p0 $0x7F800000  }
0x242: {  	p0 =	seq.s32 s22, $0x1;
	s22 =	smul.f32 s7, s23;
	s23 =	sld [smem:$0x7F5]  }
0x243: {  	s19 =	simm.s32 @p0 $0xFF800000;
	p0 =	seq.s32 s24, $0x1;
	s24 =	sld [smem:$0x7F3]  }
0x244: {  	s14 =	smul.f32 s7, s28;
	s20 =	simm.s32 @p0 $0x7F800000;
	p0 =	seq.s32 s25, $0x1  }
0x245: {  	s25 =	sld [smem:$0x7F0];
	s21 =	simm.s32 @p0 $0x7F800000;
	p0 =	seq.s32 s23, $0x1  }
0x246: {  	s20 =	simm.s32 @p0 $0xFF800000;
	p0 =	seq.s32 s24, $0x1;
	s24 =	rddreg [dreg:$0x13]  }
0x247: {  	s23 =	smul.f32 s7, s24;
	s24 =	sld [smem:$0x7F1]  }
0x248: {  	s14 =	simm.s32 @p3 $0x7F800000;
	s21 =	simm.s32 @p0 $0xFF800000;
	p0 =	seq.s32 s25, $0x1  }
0x249: {  	s14 =	simm.s32 @p4 $0xFF800000;
	s25 =	rddreg [dreg:$0x14];
	s22 =	simm.s32 @p0 $0x7F800000  }
0x24a: {  	p0 =	seq.s32 s24, $0x1;
	s24 =	smul.f32 s7, s25;
	s25 =	sld [smem:$0x7EE]  }
0x24b: {  	s10 =	smul.f32 s7, s26;
	v42 =	vmov s14;
	s14 =	sld [smem:$0x7EC]  }
0x24c: {  	s15 =	smul.f32 s7, s15;
	v40 =	vmov s16;
	s16 =	sld [smem:$0x7EF]  }
0x24d: {  	v38 =	vmov s17;
	s17 =	sld [smem:$0x7ED];
	s22 =	simm.s32 @p0 $0xFF800000;
	p0 =	seq.s32 s25, $0x1  }
0x24e: {  	s25 =	rddreg [dreg:$0x15];
	s23 =	simm.s32 @p0 $0x7F800000;
	p0 =	seq.s32 s14, $0x1  }
0x24f: {  	s25 =	smul.f32 s7, s25;
	s24 =	simm.s32 @p0 $0x7F800000;
	p0 =	seq.s32 s16, $0x1  }
0x250: {  	s14 =	rddreg [dreg:$0x16];
	s23 =	simm.s32 @p0 $0xFF800000;
	p0 =	seq.s32 s17, $0x1  }
0x251: {  	s7 =	smul.f32 s7, s14;
	s14 =	sshra.s32 s1, $0x2;
	s24 =	simm.s32 @p0 $0xFF800000  }
0x252: {  	v33 =	vmov s24;
	s24 =	sadd.s32 $0x0, s14  }
0x253: {  	v51 =	vld [tilespmem:s24+$0x60]  }
0x254: {  	v37 =	vmov s19;
	s19 =	sld [smem:$0x7EA];
	v44 =	vld [tilespmem:s24+$0x0]  }
0x255: {  	v35 =	vmov s20;
	s20 =	sld [smem:$0x7E8];
	v46 =	vld [tilespmem:s24+$0x10]  }
0x256: {  	v36 =	vmov s21;
	s21 =	sld [smem:$0x7EB];
	v47 =	vld [tilespmem:s24+$0x20]  }
0x257: {  	s10 =	simm.s32 @p5 $0x7F800000;
	v34 =	vmov s22;
	s22 =	sld [smem:$0x7E9];
	p0 =	seq.s32 s19, $0x1;
	v48 =	vld [tilespmem:s24+$0x30]  }
0x258: {  	s15 =	simm.s32 @p1 $0x7F800000;
	s25 =	simm.s32 @p0 $0x7F800000;
	p0 =	seq.s32 s20, $0x1;
	v49 =	vld [tilespmem:s24+$0x40]  }
0x259: {  	s10 =	simm.s32 @p6 $0xFF800000;
	s7 =	simm.s32 @p0 $0x7F800000;
	p0 =	seq.s32 s21, $0x1;
	v50 =	vld [tilespmem:s24+$0x50]  }
0x25a: {  	s15 =	simm.s32 @p2 $0xFF800000;
	v41 =	vmov s10;
	s25 =	simm.s32 @p0 $0xFF800000;
	p0 =	seq.s32 s22, $0x1  }
0x25b: {  	v43 =	vmov s15;
	v39 =	vmov s18;
	v32 =	vmov s23;
	s7 =	simm.s32 @p0 $0xFF800000  }
0x25c: {  	v31 =	vmov s25;
	v30 =	vmov s7;
	vm1 =	vge.f32 v51, v41  }
0x25d: {  	vm3 =	vge.f32 v44, v41;
	vm4 =	vge.f32 v46, v41;
	vm5 =	vge.f32 v47, v41  }
0x25e: {  	vm6 =	vge.f32 v48, v41;
	vm7 =	vge.f32 v49, v41;
	vm8 =	vge.f32 v50, v41  }
0x25f: {  	s23 =	rddreg [dreg:$0x1a];
	vm12 =	vge.f32 v49, v42;
	vm13 =	vge.f32 v50, v43;
	vm14 =	vge.f32 v49, v40  }
0x260: {  	s10 =	sshra.s32 s23, $0x2;
	vm15 =	vge.f32 v49, v38;
	vm9 =	vge.f32 v50, v39;
	vm10 =	vge.f32 v49, v37  }
0x261: {  	s25 =	sadd.s32 $0x0, s10;
	vm11 =	vge.f32 v49, v35;
	v52 =	vsel vm1, v1, v0;
	vm1 =	vge.f32 v51, v42  }
0x262: {  	v45 =	vld [tilespmem:s25+$0x0];
	v54 =	vsel vm3, v1, v0;
	v55 =	vsel vm4, v1, v0;
	v56 =	vsel vm5, v1, v0  }
0x263: {  	v57 =	vsel vm6, v1, v0;
	v58 =	vsel vm7, v1, v0;
	v59 =	vsel vm8, v1, v0  }
0x264: {  	vm3 =	vge.f32 v46, v42;
	vm4 =	vge.f32 v47, v42;
	vm5 =	vge.f32 v48, v42  }
0x265: {  	v52 =	vsel vm1, v2, v52;
	vm1 =	vge.f32 v51, v43;
	v60 =	vsel vm4, v2, v56  }
0x266: {  	v61 =	vsel vm5, v2, v57;
	v62 =	vsel vm12, v2, v58;
	vm4 =	vge.f32 v47, v43  }
0x267: {  	vm5 =	vge.f32 v48, v43;
	vm12 =	vge.f32 v50, v36;
	vm2 =	vge.f32 v45, v41  }
0x268: {  	v52 =	vsel vm1, v3, v52;
	vm1 =	vge.f32 v51, v40;
	v56 =	vsel vm5, v3, v61  }
0x269: {  	vm5 =	vge.f32 v48, v40;
	v52 =	vsel vm1, v4, v52;
	vm1 =	vge.f32 v51, v38  }
0x26a: {  	v53 =	vsel vm2, v1, v0;
	vm2 =	vge.f32 v45, v42;
	v56 =	vsel vm5, v4, v56  }
0x26b: {  	vm5 =	vge.f32 v48, v38;
	v52 =	vsel vm1, v5, v52;
	vm1 =	vge.f32 v51, v39  }
0x26c: {  	v56 =	vsel vm5, v5, v56;
	vm5 =	vge.f32 v48, v39;
	v52 =	vsel vm1, v6, v52  }
0x26d: {  	vm1 =	vge.f32 v51, v37;
	v56 =	vsel vm5, v6, v56;
	vm5 =	vge.f32 v48, v37  }
0x26e: {  	v52 =	vsel vm1, v7, v52;
	vm1 =	vge.f32 v51, v35;
	v56 =	vsel vm5, v7, v56  }
0x26f: {  	vm5 =	vge.f32 v48, v35;
	v52 =	vsel vm1, v8, v52;
	vm1 =	vge.f32 v51, v36  }
0x270: {  	v56 =	vsel vm5, v8, v56;
	v52 =	vsel vm1, v9, v52;
	vm1 =	vge.f32 v51, v34  }
0x271: {  	vm5 =	vge.f32 v48, v36;
	v52 =	vsel vm1, v10, v52;
	vm1 =	vge.f32 v51, v32  }
0x272: {  	v56 =	vsel vm5, v9, v56;
	v52 =	vsel vm1, v11, v52;
	vm1 =	vge.f32 v51, v33  }
0x273: {  	vm5 =	vge.f32 v48, v34;
	v52 =	vsel vm1, v12, v52;
	vm1 =	vge.f32 v51, v31  }
0x274: {  	v56 =	vsel vm5, v10, v56;
	v52 =	vsel vm1, v13, v52;
	vm1 =	vge.f32 v51, v30  }
0x275: {  	vm5 =	vge.f32 v48, v32;
	v51 =	vsel vm1, v14, v52;
	vm1 =	vge.f32 v44, v42  }
0x276: {  	v52 =	vsel vm2, v2, v53;
	vm2 =	vge.f32 v50, v42;
	v53 =	vsel vm1, v2, v54  }
0x277: {  	v54 =	vsel vm3, v2, v55;
	vm1 =	vge.f32 v45, v43;
	vm3 =	vge.f32 v44, v43  }
0x278: {  	v63 =	vsel vm2, v2, v59;
	vm2 =	vge.f32 v46, v43;
	v55 =	vsel vm4, v3, v60  }
0x279: {  	vm4 =	vge.f32 v47, v40;
	v59 =	vsel vm5, v11, v56;
	vm5 =	vge.f32 v48, v33  }
0x27a: {  	v52 =	vsel vm1, v3, v52;
	vm1 =	vge.f32 v49, v43;
	v53 =	vsel vm3, v3, v53  }
0x27b: {  	v54 =	vsel vm2, v3, v54;
	v58 =	vsel vm13, v3, v63;
	vm2 =	vge.f32 v44, v40  }
0x27c: {  	vm3 =	vge.f32 v46, v40;
	v55 =	vsel vm4, v4, v55;
	vm4 =	vge.f32 v47, v38  }
0x27d: {  	vm13 =	vge.f32 v49, v34;
	v57 =	vsel vm1, v3, v62;
	vm1 =	vge.f32 v45, v40  }
0x27e: {  	v53 =	vsel vm2, v4, v53;
	v54 =	vsel vm3, v4, v54;
	vm2 =	vge.f32 v45, v38  }
0x27f: {  	vm3 =	vge.f32 v46, v38;
	v55 =	vsel vm4, v5, v55;
	vm4 =	vge.f32 v47, v39  }
0x280: {  	v52 =	vsel vm1, v4, v52;
	vm1 =	vge.f32 v50, v40;
	v57 =	vsel vm14, v4, v57  }
0x281: {  	v54 =	vsel vm3, v5, v54;
	vm3 =	vge.f32 v44, v39;
	v55 =	vsel vm4, v6, v55  }
0x282: {  	vm4 =	vge.f32 v47, v37;
	vm14 =	vge.f32 v49, v32;
	v58 =	vsel vm1, v4, v58  }
0x283: {  	vm1 =	vge.f32 v44, v38;
	v52 =	vsel vm2, v5, v52;
	vm2 =	vge.f32 v50, v38  }
0x284: {  	v57 =	vsel vm15, v5, v57;
	v55 =	vsel vm4, v7, v55;
	vm4 =	vge.f32 v47, v35  }
0x285: {  	vm15 =	vge.f32 v50, v33;
	v53 =	vsel vm1, v5, v53;
	vm1 =	vge.f32 v45, v39  }
0x286: {  	v58 =	vsel vm2, v5, v58;
	vm2 =	vge.f32 v46, v39;
	v55 =	vsel vm4, v8, v55  }
0x287: {  	vm4 =	vge.f32 v47, v36;
	v52 =	vsel vm1, v6, v52;
	vm1 =	vge.f32 v49, v39  }
0x288: {  	v53 =	vsel vm3, v6, v53;
	v54 =	vsel vm2, v6, v54;
	v58 =	vsel vm9, v6, v58  }
0x289: {  	vm2 =	vge.f32 v44, v37;
	vm3 =	vge.f32 v46, v37;
	v55 =	vsel vm4, v9, v55  }
0x28a: {  	vm4 =	vge.f32 v47, v34;
	v57 =	vsel vm1, v6, v57;
	vm1 =	vge.f32 v45, v37  }
0x28b: {  	v53 =	vsel vm2, v7, v53;
	v54 =	vsel vm3, v7, v54;
	vm2 =	vge.f32 v45, v35  }
0x28c: {  	vm3 =	vge.f32 v46, v35;
	v55 =	vsel vm4, v10, v55;
	vm4 =	vge.f32 v47, v32  }
0x28d: {  	v52 =	vsel vm1, v7, v52;
	vm1 =	vge.f32 v50, v37;
	v57 =	vsel vm10, v7, v57  }
0x28e: {  	v54 =	vsel vm3, v8, v54;
	vm3 =	vge.f32 v44, v36;
	v55 =	vsel vm4, v11, v55  }
0x28f: {  	vm4 =	vge.f32 v47, v33;
	v58 =	vsel vm1, v7, v58;
	vm1 =	vge.f32 v44, v35  }
0x290: {  	v52 =	vsel vm2, v8, v52;
	vm2 =	vge.f32 v50, v35;
	v57 =	vsel vm11, v8, v57  }
0x291: {  	v55 =	vsel vm4, v12, v55;
	v53 =	vsel vm1, v8, v53;
	vm1 =	vge.f32 v45, v36  }
0x292: {  	v58 =	vsel vm2, v8, v58;
	vm2 =	vge.f32 v46, v36;
	v52 =	vsel vm1, v9, v52  }
0x293: {  	vm1 =	vge.f32 v49, v36;
	v53 =	vsel vm3, v9, v53;
	v54 =	vsel vm2, v9, v54  }
0x294: {  	v58 =	vsel vm12, v9, v58;
	vm2 =	vge.f32 v44, v34;
	vm3 =	vge.f32 v46, v34  }
0x295: {  	v57 =	vsel vm1, v9, v57;
	vm1 =	vge.f32 v45, v34;
	v53 =	vsel vm2, v10, v53  }
0x296: {  	v54 =	vsel vm3, v10, v54;
	vm2 =	vge.f32 v45, v32;
	vm3 =	vge.f32 v46, v32  }
0x297: {  	v52 =	vsel vm1, v10, v52;
	vm1 =	vge.f32 v50, v34;
	v57 =	vsel vm13, v10, v57  }
0x298: {  	v54 =	vsel vm3, v11, v54;
	vm3 =	vge.f32 v44, v33;
	v58 =	vsel vm1, v10, v58  }
0x299: {  	vm1 =	vge.f32 v44, v32;
	v52 =	vsel vm2, v11, v52;
	vm2 =	vge.f32 v50, v32  }
0x29a: {  	v60 =	vsel vm14, v11, v57;
	v53 =	vsel vm1, v11, v53;
	vm1 =	vge.f32 v45, v33  }
0x29b: {  	v61 =	vsel vm2, v11, v58;
	vm2 =	vge.f32 v46, v33;
	v57 =	vsel vm1, v12, v52  }
0x29c: {  	vm1 =	vge.f32 v49, v33;
	v58 =	vsel vm3, v12, v53;
	v56 =	vsel vm2, v12, v54  }
0x29d: {  	s30 =	simm.s32 $0x3E80;
	s29 =	simm.s32 $0x0;
	s16 =	sadd.s32 $0x3E80, s14;
	v54 =	vsel vm5, v12, v59;
	v52 =	vsel vm15, v12, v61;
	vm2 =	vge.f32 v45, v31  }
0x29e: {  	s15 =	simm.s32 $0x0;
	s17 =	simm.s32 $0x0;
	s18 =	sadd.s32 $0x3E80, s10;
	[tilespmem:s16+$0x60] =	vst v51;
	vm3 =	vge.f32 v44, v31;
	v53 =	vsel vm1, v12, v60;
	vm1 =	vge.f32 v46, v31  }
.LBB2_24:
0x29f: {  	vm4 =	vge.f32 v47, v31;
	vm5 =	vge.f32 v48, v31;
	vm6 =	vge.f32 v49, v31  }
0x2a0: {  	s15 =	sadd.s32 $0x8, s15;
	v51 =	vsel vm2, v13, v57;
	v57 =	vsel vm3, v13, v58;
	vm2 =	vge.f32 v50, v31;
	s17 =	sadd.s32 $0x80, s17  }
0x2a1: {  	v56 =	vsel vm1, v13, v56;
	s7 =	sadd.s32 s10, s17;
	s19 =	sadd.s32 s14, s17;
	p0 =	slt.u32 s15, $0x30;
	v55 =	vsel vm4, v13, v55;
	v54 =	vsel vm5, v13, v54  }
0x2a2: {  	vm1 =	vge.f32 v45, v30;
	v53 =	vsel vm6, v13, v53;
	v52 =	vsel vm2, v13, v52;
	v58 =	vld [tilespmem:s19+$0x60]  }
0x2a3: {  	vm3 =	vge.f32 v46, v30;
	vm2 =	vge.f32 v44, v30;
	vm4 =	vge.f32 v47, v30;
	v45 =	vld [tilespmem:s7+$0x0]  }
0x2a4: {  	vm7 =	vge.f32 v50, v30;
	vm5 =	vge.f32 v48, v30;
	vm6 =	vge.f32 v49, v30;
	v44 =	vld [tilespmem:s19+$0x0]  }
0x2a5: {  	v48 =	vsel vm1, v14, v51;
	v50 =	vsel vm3, v14, v56;
	v49 =	vsel vm2, v14, v57;
	v46 =	vld [tilespmem:s19+$0x10]  }
0x2a6: {  	v51 =	vsel vm4, v14, v55;
	v54 =	vsel vm5, v14, v54;
	v53 =	vsel vm6, v14, v53;
	v47 =	vld [tilespmem:s19+$0x20];
	[tilespmem:s18+$0x0] =	vst v48  }
0x2a7: {  	v52 =	vsel vm7, v14, v52;
	v48 =	vld [tilespmem:s19+$0x30];
	vm2 =	vge.f32 v58, v41;
	[tilespmem:s16+$0x0] =	vst v49  }
0x2a8: {  	vm3 =	vge.f32 v58, v42;
	vm1 =	vge.f32 v45, v41;
	v49 =	vld [tilespmem:s19+$0x40];
	v55 =	vsel vm2, v1, v0;
	[tilespmem:s16+$0x10] =	vst v50  }
0x2a9: {  	vm2 =	vge.f32 v44, v41;
	v50 =	vld [tilespmem:s19+$0x50];
	v55 =	vsel vm3, v2, v55;
	vm3 =	vge.f32 v58, v43;
	[tilespmem:s16+$0x20] =	vst v51  }
0x2aa: {  	vm4 =	vge.f32 v46, v41;
	v51 =	vsel vm3, v3, v55;
	vm3 =	vge.f32 v58, v40;
	[tilespmem:s16+$0x30] =	vst v54  }
0x2ab: {  	vm5 =	vge.f32 v47, v41;
	v51 =	vsel vm3, v4, v51;
	vm3 =	vge.f32 v58, v38;
	[tilespmem:s16+$0x40] =	vst v53  }
0x2ac: {  	vm6 =	vge.f32 v48, v41;
	v51 =	vsel vm3, v5, v51;
	vm3 =	vge.f32 v58, v39;
	[tilespmem:s16+$0x50] =	vst v52  }
0x2ad: {  	vm7 =	vge.f32 v49, v41;
	v51 =	vsel vm3, v6, v51;
	vm3 =	vge.f32 v58, v37  }
0x2ae: {  	vm8 =	vge.f32 v50, v41;
	v51 =	vsel vm3, v7, v51;
	vm3 =	vge.f32 v58, v35  }
0x2af: {  	v52 =	vsel vm1, v1, v0;
	vm1 =	vge.f32 v58, v36;
	v51 =	vsel vm3, v8, v51  }
0x2b0: {  	v53 =	vsel vm2, v1, v0;
	v51 =	vsel vm1, v9, v51;
	vm1 =	vge.f32 v58, v34  }
0x2b1: {  	v54 =	vsel vm4, v1, v0;
	v51 =	vsel vm1, v10, v51;
	vm1 =	vge.f32 v58, v32  }
0x2b2: {  	v55 =	vsel vm5, v1, v0;
	v51 =	vsel vm1, v11, v51;
	vm1 =	vge.f32 v58, v33  }
0x2b3: {  	v56 =	vsel vm6, v1, v0;
	v51 =	vsel vm1, v12, v51;
	vm1 =	vge.f32 v58, v31  }
0x2b4: {  	s30 =	sadd.s32 $0x80, s30;
	v57 =	vsel vm7, v1, v0;
	v51 =	vsel vm1, v13, v51;
	vm1 =	vge.f32 v58, v30  }
0x2b5: {  	s18 =	sadd.s32 s10, s30;
	vm2 =	vge.f32 v45, v42;
	s16 =	sadd.s32 s14, s30;
	v58 =	vsel vm8, v1, v0;
	v51 =	vsel vm1, v14, v51  }
0x2b6: {  	vm4 =	vge.f32 v47, v42;
	vm3 =	vge.f32 v46, v42;
	vm1 =	vge.f32 v44, v42;
	[tilespmem:s16+$0x60] =	vst v51  }
0x2b7: {  	vm5 =	vge.f32 v48, v42;
	vm6 =	vge.f32 v49, v42;
	vm7 =	vge.f32 v50, v42  }
0x2b8: {  	v51 =	vsel vm2, v2, v52;
	v52 =	vsel vm1, v2, v53;
	v53 =	vsel vm3, v2, v54  }
0x2b9: {  	v54 =	vsel vm4, v2, v55;
	v55 =	vsel vm5, v2, v56;
	v56 =	vsel vm6, v2, v57  }
0x2ba: {  	vm1 =	vge.f32 v45, v43;
	vm2 =	vge.f32 v44, v43;
	v57 =	vsel vm7, v2, v58  }
0x2bb: {  	vm3 =	vge.f32 v46, v43;
	vm4 =	vge.f32 v47, v43;
	vm5 =	vge.f32 v48, v43  }
0x2bc: {  	vm6 =	vge.f32 v50, v43;
	v51 =	vsel vm1, v3, v51;
	vm1 =	vge.f32 v49, v43  }
0x2bd: {  	v52 =	vsel vm2, v3, v52;
	v53 =	vsel vm3, v3, v53;
	v54 =	vsel vm4, v3, v54  }
0x2be: {  	v55 =	vsel vm5, v3, v55;
	v57 =	vsel vm6, v3, v57;
	v56 =	vsel vm1, v3, v56  }
0x2bf: {  	vm2 =	vge.f32 v44, v40;
	vm3 =	vge.f32 v46, v40;
	vm1 =	vge.f32 v45, v40  }
0x2c0: {  	vm4 =	vge.f32 v47, v40;
	vm5 =	vge.f32 v48, v40;
	vm6 =	vge.f32 v49, v40  }
0x2c1: {  	v52 =	vsel vm2, v4, v52;
	v51 =	vsel vm1, v4, v51;
	vm1 =	vge.f32 v50, v40  }
0x2c2: {  	v53 =	vsel vm3, v4, v53;
	v54 =	vsel vm4, v4, v54;
	v55 =	vsel vm5, v4, v55  }
0x2c3: {  	vm2 =	vge.f32 v45, v38;
	v56 =	vsel vm6, v4, v56;
	v57 =	vsel vm1, v4, v57  }
0x2c4: {  	vm3 =	vge.f32 v46, v38;
	vm4 =	vge.f32 v47, v38;
	vm1 =	vge.f32 v44, v38  }
0x2c5: {  	vm7 =	vge.f32 v50, v38;
	vm5 =	vge.f32 v48, v38;
	vm6 =	vge.f32 v49, v38  }
0x2c6: {  	v53 =	vsel vm3, v5, v53;
	v51 =	vsel vm2, v5, v51;
	v52 =	vsel vm1, v5, v52  }
0x2c7: {  	v54 =	vsel vm4, v5, v54;
	v55 =	vsel vm5, v5, v55;
	v56 =	vsel vm6, v5, v56  }
0x2c8: {  	vm2 =	vge.f32 v44, v39;
	vm1 =	vge.f32 v45, v39;
	v57 =	vsel vm7, v5, v57  }
0x2c9: {  	vm3 =	vge.f32 v46, v39;
	vm4 =	vge.f32 v47, v39;
	vm5 =	vge.f32 v48, v39  }
0x2ca: {  	vm6 =	vge.f32 v50, v39;
	v51 =	vsel vm1, v6, v51;
	vm1 =	vge.f32 v49, v39  }
0x2cb: {  	v53 =	vsel vm3, v6, v53;
	v54 =	vsel vm4, v6, v54;
	v52 =	vsel vm2, v6, v52  }
0x2cc: {  	v55 =	vsel vm5, v6, v55;
	v57 =	vsel vm6, v6, v57;
	v56 =	vsel vm1, v6, v56  }
0x2cd: {  	vm3 =	vge.f32 v46, v37;
	vm2 =	vge.f32 v44, v37;
	vm1 =	vge.f32 v45, v37  }
0x2ce: {  	vm4 =	vge.f32 v47, v37;
	vm5 =	vge.f32 v48, v37;
	vm6 =	vge.f32 v49, v37  }
0x2cf: {  	v52 =	vsel vm2, v7, v52;
	v51 =	vsel vm1, v7, v51;
	vm1 =	vge.f32 v50, v37  }
0x2d0: {  	v53 =	vsel vm3, v7, v53;
	v54 =	vsel vm4, v7, v54;
	v55 =	vsel vm5, v7, v55  }
0x2d1: {  	vm2 =	vge.f32 v45, v35;
	v56 =	vsel vm6, v7, v56;
	v57 =	vsel vm1, v7, v57  }
0x2d2: {  	vm3 =	vge.f32 v46, v35;
	vm4 =	vge.f32 v47, v35;
	vm1 =	vge.f32 v44, v35  }
0x2d3: {  	vm5 =	vge.f32 v48, v35;
	vm7 =	vge.f32 v50, v35;
	vm6 =	vge.f32 v49, v35  }
0x2d4: {  	v53 =	vsel vm3, v8, v53;
	v51 =	vsel vm2, v8, v51;
	v52 =	vsel vm1, v8, v52  }
0x2d5: {  	v54 =	vsel vm4, v8, v54;
	v55 =	vsel vm5, v8, v55;
	v56 =	vsel vm6, v8, v56  }
0x2d6: {  	vm2 =	vge.f32 v44, v36;
	vm1 =	vge.f32 v45, v36;
	v57 =	vsel vm7, v8, v57  }
0x2d7: {  	vm3 =	vge.f32 v46, v36;
	vm4 =	vge.f32 v47, v36;
	vm5 =	vge.f32 v48, v36  }
0x2d8: {  	vm6 =	vge.f32 v50, v36;
	v51 =	vsel vm1, v9, v51;
	vm1 =	vge.f32 v49, v36  }
0x2d9: {  	v53 =	vsel vm3, v9, v53;
	v54 =	vsel vm4, v9, v54;
	v52 =	vsel vm2, v9, v52  }
0x2da: {  	v55 =	vsel vm5, v9, v55;
	v57 =	vsel vm6, v9, v57;
	v56 =	vsel vm1, v9, v56  }
0x2db: {  	vm3 =	vge.f32 v46, v34;
	vm2 =	vge.f32 v44, v34;
	vm1 =	vge.f32 v45, v34  }
0x2dc: {  	vm4 =	vge.f32 v47, v34;
	vm5 =	vge.f32 v48, v34;
	vm6 =	vge.f32 v49, v34  }
0x2dd: {  	v52 =	vsel vm2, v10, v52;
	v51 =	vsel vm1, v10, v51;
	vm1 =	vge.f32 v50, v34  }
0x2de: {  	v53 =	vsel vm3, v10, v53;
	v54 =	vsel vm4, v10, v54;
	v55 =	vsel vm5, v10, v55  }
0x2df: {  	vm2 =	vge.f32 v45, v32;
	v56 =	vsel vm6, v10, v56;
	v57 =	vsel vm1, v10, v57  }
0x2e0: {  	vm3 =	vge.f32 v46, v32;
	vm4 =	vge.f32 v47, v32;
	vm1 =	vge.f32 v44, v32  }
0x2e1: {  	vm5 =	vge.f32 v48, v32;
	vm7 =	vge.f32 v50, v32;
	vm6 =	vge.f32 v49, v32  }
0x2e2: {  	v53 =	vsel vm3, v11, v53;
	v51 =	vsel vm2, v11, v51;
	v52 =	vsel vm1, v11, v52  }
0x2e3: {  	v54 =	vsel vm4, v11, v54;
	v59 =	vsel vm5, v11, v55;
	v60 =	vsel vm6, v11, v56  }
0x2e4: {  	vm2 =	vge.f32 v44, v33;
	vm1 =	vge.f32 v45, v33;
	v61 =	vsel vm7, v11, v57  }
.Ltmp10:
0x2e5: {  	vm3 =	vge.f32 v46, v33;
	vm4 =	vge.f32 v47, v33;
	vm5 =	vge.f32 v48, v33;
	(pc) =	sbr.rel @p0 .LBB2_24-.Ltmp10, $4  }
0x2e6: {  	vm6 =	vge.f32 v50, v33;
	v57 =	vsel vm1, v12, v51;
	vm1 =	vge.f32 v49, v33  }
0x2e7: {  	v55 =	vsel vm4, v12, v54;
	v56 =	vsel vm3, v12, v53;
	v58 =	vsel vm2, v12, v52  }
0x2e8: {  	v54 =	vsel vm5, v12, v59;
	v52 =	vsel vm6, v12, v61;
	v53 =	vsel vm1, v12, v60  }
0x2e9: {  	vm3 =	vge.f32 v44, v31;
	vm2 =	vge.f32 v45, v31;
	vm1 =	vge.f32 v46, v31  }
0x2ea: {  	vm4 =	vge.f32 v47, v31;
	vm5 =	vge.f32 v48, v31;
	vm6 =	vge.f32 v49, v31  }
0x2eb: {  	v51 =	vsel vm2, v13, v57;
	v63 =	vsel vm3, v13, v58;
	vm2 =	vge.f32 v45, v30  }
0x2ec: {  	vm3 =	vge.f32 v50, v31;
	vm7 =	vge.f32 v44, v30;
	v51 =	vsel vm2, v14, v51  }
0x2ed: {  	v58 =	vsel vm1, v13, v56;
	vm1 =	vge.f32 v46, v30;
	v59 =	vsel vm7, v14, v63;
	[tilespmem:s18+$0x0] =	vst v51  }
0x2ee: {  	v60 =	vsel vm4, v13, v55;
	vm2 =	vge.f32 v47, v30;
	v45 =	vsel vm1, v14, v58;
	[tilespmem:s16+$0x0] =	vst v59  }
0x2ef: {  	v61 =	vsel vm5, v13, v54;
	vm1 =	vge.f32 v48, v30;
	v44 =	vsel vm2, v14, v60;
	[tilespmem:s16+$0x10] =	vst v45  }
0x2f0: {  	v62 =	vsel vm6, v13, v53;
	vm2 =	vge.f32 v49, v30;
	v46 =	vsel vm1, v14, v61;
	[tilespmem:s16+$0x20] =	vst v44  }
0x2f1: {  	v63 =	vsel vm3, v13, v52;
	vm1 =	vge.f32 v50, v30;
	v45 =	vsel vm2, v14, v62;
	[tilespmem:s16+$0x30] =	vst v46  }
0x2f2: {  	v44 =	vsel vm1, v14, v63;
	[tilespmem:s16+$0x40] =	vst v45  }
0x2f3: {  	[tilespmem:s16+$0x50] =	vst v44  }
.LBB2_26:
0x2f4: {  	s7 =	sshra.s32 s29, $0x2  }
0x2f5: {  	s10 =	sadd.s32 s7, s5  }
0x2f6: {  	v44 =	vld [tilespmem:s10+$0x0];
	_ =	sdelay $0x4  }
0x2f7: {  	vm1 =	vge.f32 v44, v41  }
0x2f8: {  	v45 =	vsel vm1, v1, v0;
	vm1 =	vge.f32 v44, v42  }
0x2f9: {  	v45 =	vsel vm1, v2, v45;
	vm1 =	vge.f32 v44, v43  }
0x2fa: {  	v45 =	vsel vm1, v3, v45;
	vm1 =	vge.f32 v44, v40  }
0x2fb: {  	v45 =	vsel vm1, v4, v45;
	vm1 =	vge.f32 v44, v38  }
0x2fc: {  	v45 =	vsel vm1, v5, v45;
	vm1 =	vge.f32 v44, v39  }
0x2fd: {  	v45 =	vsel vm1, v6, v45;
	vm1 =	vge.f32 v44, v37  }
0x2fe: {  	v45 =	vsel vm1, v7, v45;
	vm1 =	vge.f32 v44, v35  }
0x2ff: {  	v45 =	vsel vm1, v8, v45;
	vm1 =	vge.f32 v44, v36  }
0x300: {  	v45 =	vsel vm1, v9, v45;
	vm1 =	vge.f32 v44, v34  }
0x301: {  	p0 =	sne.s32 s29, $0x140;
	v45 =	vsel vm1, v10, v45;
	vm1 =	vge.f32 v44, v32  }
.Ltmp11:
0x302: {  	v45 =	vsel vm1, v11, v45;
	vm1 =	vge.f32 v44, v33;
	(pc) =	sbr.rel @p0 .LBB2_26-.Ltmp11, $4  }
0x303: {  	v45 =	vsel vm1, v12, v45;
	vm1 =	vge.f32 v44, v31  }
0x304: {  	v45 =	vsel vm1, v13, v45;
	vm1 =	vge.f32 v44, v30  }
0x305: {  	s7 =	sadd.s32 s7, s12;
	v44 =	vsel vm1, v14, v45  }
0x306: {  	s29 =	sadd.s32 $0x40, s29;
	[tilespmem:s7+$0x0] =	vst v44  }
0x307: {  	v27 =	vsel vm0, v27, v41  }
0x308: {  	v28 =	vsel vm0, v28, v42;
	vm1 =	vge.f32 v15, v27  }
0x309: {  	v26 =	vsel vm0, v26, v43;
	v27 =	vsel vm1, v1, v0;
	vm1 =	vge.f32 v15, v28  }
0x30a: {  	v63 =	vsel vm0, v29, v40;
	v27 =	vsel vm1, v2, v27;
	vm1 =	vge.f32 v15, v26  }
0x30b: {  	v25 =	vsel vm0, v25, v38;
	v26 =	vsel vm1, v3, v27;
	vm1 =	vge.f32 v15, v63  }
0x30c: {  	v23 =	vsel vm0, v23, v39;
	v26 =	vsel vm1, v4, v26;
	vm1 =	vge.f32 v15, v25  }
0x30d: {  	v24 =	vsel vm0, v24, v37;
	v25 =	vsel vm1, v5, v26;
	vm1 =	vge.f32 v15, v23  }
0x30e: {  	v22 =	vsel vm0, v22, v35;
	v23 =	vsel vm1, v6, v25;
	vm1 =	vge.f32 v15, v24  }
0x30f: {  	v20 =	vsel vm0, v20, v36;
	v23 =	vsel vm1, v7, v23;
	vm1 =	vge.f32 v15, v22  }
0x310: {  	v21 =	vsel vm0, v21, v34;
	v22 =	vsel vm1, v8, v23;
	vm1 =	vge.f32 v15, v20  }
0x311: {  	v19 =	vsel vm0, v19, v32;
	s6 =	sadd.s32 $0x1, s6;
	v20 =	vsel vm1, v9, v22;
	vm1 =	vge.f32 v15, v21  }
0x312: {  	v17 =	vsel vm0, v17, v33;
	p0 =	sne.s32 s6, $0x8;
	v20 =	vsel vm1, v10, v20;
	vm1 =	vge.f32 v15, v19  }
.Ltmp12:
0x313: {  	_ =	strace $0x9000004A;
	v18 =	vsel vm0, v18, v31;
	s2 =	sadd.s32 $0x7D0, s2;
	v19 =	vsel vm1, v11, v20;
	vm1 =	vge.f32 v15, v17;
	(pc) =	sbr.rel @p0 .LBB2_3-.Ltmp12, $4  }
0x314: {  	v16 =	vsel vm0, v16, v30;
	s31 =	sadd.s32 $0x5, s31;
	s0 =	sadd.s32 $0x7D0, s0;
	s3 =	sadd.s32 $0x7D0, s3;
	v17 =	vsel vm1, v12, v19;
	vm1 =	vge.f32 v15, v18  }
0x315: {  	s9 =	sadd.s32 $0x7D0, s9;
	s11 =	sadd.s32 $0x5, s11;
	s4 =	sadd.s32 $0x7D0, s4;
	v17 =	vsel vm1, v13, v17;
	vm1 =	vge.f32 v15, v16  }
0x316: {  	s5 =	sadd.s32 $0x7D0, s5;
	s8 =	sadd.s32 $0x1F40, s8;
	s7 =	rddreg [dreg:$0x19];
	v15 =	vsel vm1, v14, v17  }
0x317: {  	s13 =	sadd.s32 $0x7D0, s13;
	s1 =	sadd.s32 $0x1F40, s1;
	s12 =	sadd.s32 $0x7D0, s12;
	[tilespmem:s7+$0x3E80] =	vst v15  }
0x318: {  	s0 =	rddreg [dreg:$0x5]  }
0x319: {  	s1 =	rddreg [dreg:$0x18];
	s30 =	simm.s32 $0x0  }
0x31a: {  	s2 =	simm.s32 $0x3E80;
	s3 =	simm.s32 $0x1;
	s0 =	sadd.s32 s0, s1  }
0x31b: {  	[hbm4b:s0+s30] =	stream.linear.scatter [tilespmem:s2], [sflag:$0x1], $0x3E80, $0x38;
	[tilespmem:$0x7E00] =	vst v63  }
0x31c: {  	_ =	swait.ge [sflag:s3], $0x3E80  }
0x31d: {  	s31 =	rddreg [dreg:$0x17]  }
0x31e: {  	s1 =	sadd.s32 $0x1, s31  }
0x31f: {  	p0 =	sne.s32 s1, $0x4  }
.Ltmp13:
0x320: {  	_ = 	snop;
	(pc) =	sbr.rel @p0 .LBB2_2-.Ltmp13, $3  }
0x321: {  	_ =	sdelay $0x1  }
0x322: {  	[sflag:s3] =	ssyncset.done $0x0  }
0x323: {  	[sflag:s3] =	ssyncadd.s32 $0xFFFFC180  }
0x324: {  	s1 =	rddreg [dreg:$0x8]  }
0x325: {  	s0 =	rddreg [dreg:$0x7];
	s1 =	sadd.s32 $0x1, s1  }
0x326: {  	p0 =	sne.s32 s1, s0  }
.Ltmp14:
0x327: {  	_ = 	snop;
	(pc) =	sbr.rel @p0 .LBB2_1-.Ltmp14, $1  }
0x328: {  	_ =	sdelay $0x3  }
0x329: {  	_ =	sfence.sel $0x180000  }
0x32a: {  	[bflag:$0x0] =	sbarrier.arrive $0xFFFF  }
0x32b: {  	_ =	strace $0x90000047  }
0x32c: {  	s0 =	stileid.u32;
	[bflag:$0x2] =	sbarrier.arrive $0xFFFF  }
0x32d: {  	p0 =	sne.s32 s0, $0x0;
	s0 =	rddreg [dreg:$0x2]  }
0x32e: {  	s0 =	sadd.s32 @!p0 $0x100000, s0  }
0x32f: {  	[sflag:s0] =	ssyncadd.tile.s32 @!p0 $0x1;
	_ =	shalt  }
.Lfunc_end2:
_tile_overlayer_lowered:
.L_overlay_start_2:
0x330: {  	(tag) =	ssettag $0x2  }
0x331: {  	s0 =	rddreg [dreg:$0x0];
	s2 =	stileid.u32  }
0x332: {  	s1 =	rddreg [dreg:$0x1];
	p0 =	sne.s32 s2, $0x0  }
0x333: {  	s3 =	rddreg [dreg:$0x2];
	[bflag:$0x3] =	sbarrier.arrive $0xFFFF;
	s2 =	simm.s32 @!p0 $0x1C01  }
0x334: {  	[timem:s3], [sflag:s2] =	dma.local @!p0 [hbm:s0], s1  }
0x335: {  	s0 =	simm.s32 @!p0 $0x1  }
0x336: {  	_ =	swait.ge @!p0 [sflag:s0], s1  }
0x337: {  	s1 =	ssub.s32 @!p0 $0x0, s1;
	[sflag:s0] =	ssyncset.done @!p0 $0x0  }
0x338: {  	[sflag:s0] =	ssyncadd.s32 @!p0 s1  }
0x339: {  	[bflag:$0x3] =	sbarrier.arrive $0xFFFF  }
0x33a: {  	_ =	shalt  }

// kernel: sparse-core-data-format-call.cloned.1.call-start
scs
called_computation_lowered:
.L_overlay_start_0:
0x0: {  	s2 =	sld [smem:$0x3FD9]  }
0x1: {  	s3 =	sld [smem:$0x3FFE];
	_ =	sdelay $0x1  }
0x2: {  	s1 =	srdreg.scid  }
0x3: {  	s0 =	sand.u32 $0x1, s1  }
0x4: {  	s18 =	sshll.u32 s0, $0xA;
	s2 =	sadd.s32 s3, s2  }
0x5: {  	s2 =	sadd.s32 s2, s18  }
0x6: {  	[smem:$0x3FC5] =	sst s2  }
0x7: {  	_ = 	snop  }
0x8: {  	s2 =	sld [smem:$0x3FD0];
	(tm) =	ssettm $0x1  }
0x9: {  	s19 =	sld [smem:$0x3FFB];
	_ =	sdelay $0x3  }
0xa: {  	_ =	strace s19  }
0xb: {  	s3 =	sld [smem:$0x3FFC];
	_ =	sdelay $0x3  }
0xc: {  	_ =	strace s3  }
0xd: {  	s3 =	sld [smem:$0x3FFD];
	_ =	sdelay $0x3  }
0xe: {  	_ =	strace s3  }
0xf: {  	_ =	strace $0x8FFFFFFF  }
0x10: {  	s20 =	sld [smem:$0x3FDB];
	_ =	sdelay $0x1  }
0x11: {  	s4 =	simm.s32 $_scs_section_size  }
0x12: {  	s5 =	simm.s32 $_size__tile_overlayer_lowered;
	s6 =	simm.s32 $_tile_overlayer_lowered  }
0x13: {  	s23 =	simm.s32 $0x1BFF;
	s22 =	sshll.u32 s6, $0x1;
	s3 =	sadd.s32 s4, s20  }
0x14: {  	s7 =	simm.s32 $0x0;
	s21 =	sshll.u32 s5, $0x1;
	s5 =	sadd.s32 s22, s3  }
0x15: {  	[timem:s7], [sflag:s23] =	dma.local [hbm:s5], s21  }
0x16: {  	_ =	swait.ge [sflag:s23], s21  }
0x17: {  	s4 =	ssub.s32 $0x0, s21;
	[sflag:s23] =	ssyncset.done $0x0  }
0x18: {  	[sflag:s23] =	ssyncadd.s32 s4;
	_ =	sdelay $0x1  }
0x19: {  	s24 =	simm.s32 $0x1B8B  }
0x1a: {  	_ =	swait.ge [sflag:s24], $0x1  }
0x1b: {  	[sflag:s24] =	ssyncset.done $0x0  }
0x1c: {  	s26 =	simm.s32 $0x1B8E;
	s25 =	sld [smem:$0x3FFE];
	[sflag:s24] =	ssyncadd.s32 $0xFFFFFFFF  }
0x1d: {  	s27 =	simm.s32 $execute0_lowered;
	[smem:$0x3FD2] =	sst s26  }
0x1e: {  	s5 =	sshll.u32 s27, $0x1;
	_ =	strace $0x8000004C;
	[dreg:$0x1] =	wrdreg $0xFFFFFFFF  }
0x1f: {  	s28 =	simm.s32 $_size_execute0_lowered;
	s3 =	sadd.s32 s3, s5;
	[dreg:$0x0] =	wrdreg $0x0  }
0x20: {  	s5 =	sshll.u32 s28, $0x1;
	[dreg:$0x2] =	wrdreg s3  }
0x21: {  	[dreg:$0x3] =	wrdreg s5  }
0x22: {  	[dreg:$0x4] =	wrdreg $0xC0  }
0x23: {  	_ =	task [dreg:s7], $0x5FFFF  }
0x24: {  	[dreg:$0x1] =	wrdreg $0xFFFFFFFF  }
0x25: {  	[dreg:$0x0] =	wrdreg $0x60  }
0x26: {  	[dreg:$0x2] =	wrdreg s25  }
0x27: {  	[dreg:$0x3] =	wrdreg s2  }
0x28: {  	[dreg:$0x4] =	wrdreg $0x9  }
0x29: {  	_ =	task.clear_ibuf [dreg:s7], $0x5FFFF;
	_ =	strace $0x9000004C  }
0x2a: {  	s29 =	simm.s32 $0x9;
	_ =	strace $0x8000004E  }
0x2b: {  	_ =	swait.ge [sflag:s29], $0x1  }
0x2c: {  	[sflag:s29] =	ssyncadd.s32 $0xFFFFFFFF  }
0x2d: {  	_ =	strace $0x9000004E  }
0x2e: {  	_ =	sfence  }
0x2f: {  	s30 =	sld [smem:$0x0];
	_ =	sdelay $0x2  }
0x30: {  	s31 =	sshll.u32 s1, $0xD;
	s1 =	sshrl.u32 s1, $0x2  }
0x31: {  	s3 =	sand.u32 $0x4000, s31;
	s1 =	sadd.s32 s1, s30  }
0x32: {  	s0 =	sor.u32 s3, s0;
	s1 =	sshll.u32 s1, $0x11  }
0x33: {  	s0 =	sor.u32 s1, s0  }
0x34: {  	s0 =	sadd.s32 $0x8F2B, s0  }
0x35: {  	[sflag:s0] =	ssyncadd.remote.s32 $0x1  }
0x36: {  	_ =	sfence.sel $0xFFFF  }
0x37: {  	[dreg:$0x0] =	wrdreg $0xFFFFFFFF;
	(pc) =	sbr.abs _section_cstart, $3  }
0x38: {  	[dreg:$0x1] =	wrdreg $0xFFFFFFFF  }
0x39: {  	_ =	task.clear_ibuf [dreg:s7], $0x2FFFF;
	_ =	strace $0x9FFFFFFF  }
0x3a: {  	(tm) =	ssettm $0x7FFFFFFF  }
0x3b: {  	_ =	shalt  }
tec
execute0_lowered:
.L_overlay_start_1:
0x0: {  	(tag) =	ssettag $0x1  }
0x1: {  	s0 =	srdreg.scid;
	s5 =	rddreg [dreg:$0x0]  }
0x2: {  	s3 =	rddreg [dreg:$0x1];
	s1 =	sshll.u32 s0, $0x4  }
0x3: {  	s7 =	simm.s32 $0x1;
	s0 =	stileid.u32;
	s1 =	sand.u32 $0x10, s1  }
0x4: {  	s8 =	simm.s32 $0x2;
	s15 =	simm.s32 $0x0;
	s1 =	sor.u32 s0, s1  }
0x5: {  	s14 =	simm.s32 $0x0;
	s9 =	simm.s32 $0x0;
	s2 =	sshll.u32 s1, $0x7  }
0x6: {  	s10 =	simm.s32 $0x0;
	s11 =	simm.s32 $0x0;
	s6 =	ssub.s32 $0x4000, s2  }
0x7: {  	s13 =	simm.s32 $0x0;
	s5 =	sadd.s32 $0x23F400, s5;
	s4 =	sand.u32 $0xF80, s6  }
.Ltmp0:
0x8: {  	s1 =	rddreg [dreg:$0x2];
	p0 =	sne.s32 s4, $0x0;
	(pc) =	sbr.rel .LBB1_1-.Ltmp0, $4  }
0x9: {  	_ =	strace $0x8000004D;
	s6 =	sshrl.u32 s6, $0xC;
	s7 =	simm.s32 @!p0 $0x0  }
0xa: {  	s12 =	smov.u32 s2;
	s4 =	simm.s32 $0x1;
	s6 =	sadd.s32 s7, s6  }
0xb: {  	[sflag:s4] =	ssyncpa.u1 $0x0;
	p0 =	por $0x0, $0x0;
	s6 =	sshll.u32 s6, $0x3  }
0xc: {  	[sflag:s8] =	ssyncpa.u1 $0x0;
	s8 =	simm.s32 $0x20000;
	s7 =	sor.u32 $0x1, s6  }
.LBB1_4:
0xd: {  	s20 =	sshra.s32 s20, $0x2  }
0xe: {  	s28 =	sand.u32 $0x78, s10;
	s21 =	sshll.u32 s9, $0xE;
	s22 =	sshll.u32 s10, $0x3  }
0xf: {  	s24 =	sshll.u32 s9, $0x7;
	p1 =	sgt.s32 s9, $0x368;
	s30 =	sshra.s32 s9, $0x1F  }
0x10: {  	s26 =	sshra.s32 s10, $0x1F;
	s19 =	sadd.s32 s20, s19;
	s21 =	sand.u32 $0xFFFE0000, s21  }
0x11: {  	v5 =	vld [tilespmem:s17+$0xFFFFFFD0];
	[tilespmem:s18+$0x2040 ss:$0x81] =	vst.msk $0xffff, v4;
	s23 =	sand.u32 $0xFFFFFC00, s22;
	s29 =	sand.u32 $0x380, s24;
	s22 =	sand.u32 $0x3C00, s22  }
0x12: {  	v58 =	vld [tilespmem:s17+$0xFFFFFFE0];
	[tilespmem:s18+$0x2850 ss:$0x81] =	vst.msk $0xffff, v3;
	s21 =	sadd.s32 s23, s21;
	s20 =	sor.u32 s28, s22;
	s22 =	smov.u32 s9  }
0x13: {  	v59 =	vld [tilespmem:s17+$0xFFFFFFF0];
	[tilespmem:s18+$0x3060 ss:$0x81] =	vst.msk $0xffff, v2;
	s24 =	sand.u32 s30, s9;
	s21 =	sshrl.u32 s21, $0xE;
	s22 =	simm.s32 @!p1 $0x368  }
0x14: {  	v60 =	vld [tilespmem:s17+$0x0];
	[tilespmem:s18+$0x0 ss:$0x81] =	vst.msk $0xffff, v1;
	p1 =	sgt.s32 s10, $0x3F80;
	s31 =	ssub.s32 s22, s24;
	s22 =	smov.u32 s10  }
0x15: {  	v61 =	vld [tilespmem:s17+$0x10];
	[tilespmem:s19+$0x3870 ss:$0x81] =	vst.msk $0xffff, v0;
	s25 =	smulhi.u32 $0x418938, s21;
	s24 =	sand.u32 s26, s10;
	s22 =	simm.s32 @!p1 $0x3F80  }
0x16: {  	v62 =	vld [tilespmem:s17+$0x20];
	s20 =	sor.u32 s29, s20;
	[tilespmem:s19+$0x810 ss:$0x81] =	vst.msk $0xffff, v5;
	s27 =	sadd.s32 $0xFFFFFC98, s31;
	s22 =	ssub.s32 s22, s24  }
0x17: {  	v63 =	vld [tilespmem:s17+$0xFFFFFFC0];
	[tilespmem:s19+$0x1020 ss:$0x81] =	vst.msk $0xffff, v58;
	s18 =	ssub.s32 $0x3E8, s31;
	s28 =	smul.u32 $0x3E8, s25;
	s29 =	sadd.s32 $0xFFFFC080, s22  }
0x18: {  	[tilespmem:s19+$0x1830 ss:$0x81] =	vst.msk $0xffff, v59;
	p1 =	sgt.s32 s27, $0x7F;
	s22 =	ssub.s32 $0x4000, s22;
	p2 =	sgt.s32 s29, $0x7F  }
0x19: {  	s30 =	sand.u32 $0x7, s10;
	[tilespmem:s19+$0x2040 ss:$0x81] =	vst.msk $0xffff, v60;
	s18 =	simm.s32 @p1 $0x0;
	s22 =	simm.s32 @p2 $0x0  }
0x1a: {  	s20 =	sshrl.u32 s20, $0x3;
	[tilespmem:s19+$0x2850 ss:$0x81] =	vst.msk $0xffff, v61;
	s17 =	ssub.s32 s21, s28;
	s18 =	smul.u32 s22, s18  }
0x1b: {  	[tilespmem:s19+$0x3060 ss:$0x81] =	vst.msk $0xffff, v62;
	s20 =	sadd.s32 s3, s20;
	s21 =	sshll.u32 s30, $0x12;
	s17 =	sshll.u32 s17, $0xB  }
0x1c: {  	[tilespmem:s19+$0x0 ss:$0x81] =	vst.msk $0xffff, v63;
	s31 =	sor.u32 $0x400, s21;
	s17 =	sadd.s32 s17, s20;
	s18 =	sand.u32 $0x3FFFFFFF, s18  }
0x1d: {  	[hbm4b:s17+s31] =	stream.strided.scatter [tilespmem:s16], [sflag:$0x2], s18, s8, s31, $0x20;
	[tilespmem:$0x10100] =	vst v63  }
.LBB1_5:
0x1e: {  	p1 =	slt.u32 s13, $0x2  }
0x1f: {  	s17 =	smov.u32 s15;
	p2 =	sgt.s32 @!p1 s15, $0x368;
	s16 =	sshra.s32 @!p1 s15, $0x1F  }
0x20: {  	p3 =	sgt.s32 @!p1 s14, $0x3F80;
	s18 =	sshra.s32 @!p1 s14, $0x1F;
	p2 =	por !p2, p1  }
0x21: {  	s15 =	sand.u32 @!p1 s16, s15;
	p3 =	por !p3, p1;
	s16 =	smov.u32 s14  }
0x22: {  	s14 =	sand.u32 @!p1 s18, s14;
	s17 =	simm.s32 @p2 $0x368;
	s16 =	simm.s32 @p3 $0x3F80  }
0x23: {  	s15 =	ssub.s32 @!p1 s17, s15;
	s14 =	ssub.s32 @!p1 s16, s14  }
0x24: {  	s18 =	smov.u32 s12;
	s16 =	sadd.s32 @!p1 $0xFFFFFC98, s15;
	s17 =	sadd.s32 @!p1 $0xFFFFC080, s14  }
0x25: {  	s15 =	ssub.s32 @!p1 $0x3E8, s15;
	p2 =	sgt.s32 @!p1 s16, $0x7F;
	p3 =	sgt.s32 @!p1 s17, $0x7F  }
0x26: {  	s14 =	ssub.s32 @!p1 $0x4000, s14;
	p2 =	por !p2, p1;
	p3 =	por !p3, p1  }
0x27: {  	s16 =	sadd.s32 $0x80, s11;
	s15 =	simm.s32 @!p2 $0x0;
	s14 =	simm.s32 @!p3 $0x0  }
0x28: {  	p2 =	sgt.s32 s16, $0x3E7;
	s14 =	smul.u32 @!p1 s14, s15;
	s15 =	sadd.s32 $0x1000, s12  }
0x29: {  	s18 =	smov.u32 @p2 s15  }
0x2a: {  	s16 =	simm.s32 @p2 $0x0;
	p2 =	sgt.s32 s18, $0x3FFF  }
0x2b: {  	s18 =	smov.u32 @p2 s2;
	p2 =	sne.s32 s13, s7  }
.Ltmp1:
0x2c: {  	p0 =	por !p0, !p0;
	s17 =	simm.s32 @!p1 $0x2;
	(pc) =	sbr.rel @!p2 .LBB1_6-.Ltmp1, $4  }
0x2d: {  	s15 =	smov.u32 s9;
	s9 =	smov.u32 s11;
	s14 =	sand.u32 @!p1 $0x3FFFFFFF, s14  }
0x2e: {  	s11 =	smov.u32 s16;
	_ =	swait.ge @!p1 [sflag:s17], s14;
	s19 =	ssub.s32 @!p1 $0x0, s14  }
0x2f: {  	s14 =	smov.u32 s10;
	s13 =	sadd.s32 $0x1, s13;
	[sflag:s17] =	ssyncset.done @!p1 $0x0  }
0x30: {  	s10 =	smov.u32 s12;
	s12 =	smov.u32 s18;
	[sflag:s17] =	ssyncadd.s32 @!p1 s19  }
.LBB1_1:
0x31: {  	p1 =	sge.u32 s13, s6  }
0x32: {  	s31 =	sadd.s32 $0xFFFFFFFF, s13;
	s16 =	sshll.u32 @!p1 s12, $0xA  }
0x33: {  	s17 =	sshll.u32 @!p1 s11, $0x3;
	s18 =	sshll.u32 @!p1 s12, $0x7;
	s16 =	sand.u32 @!p1 $0xFFE000, s16  }
0x34: {  	s19 =	sand.u32 @!p1 $0x78, s11;
	s16 =	sadd.s32 @!p1 s16, s17;
	s17 =	sand.u32 @!p1 $0x380, s18  }
0x35: {  	s18 =	sxor.u32 @!p1 $0xFFFFFFFF, s13;
	s16 =	sand.u32 @!p1 $0xFFFC00, s16;
	s17 =	sor.u32 @!p1 s17, s19  }
0x36: {  	s18 =	sshll.u32 @!p1 s18, $0xE;
	s16 =	sor.u32 @!p1 s16, s17;
	s17 =	sand.u32 @!p1 $0x7, s11  }
0x37: {  	s19 =	simm.s32 @!p1 $0x2000;
	s16 =	sshrl.u32 @!p1 s16, $0x3;
	s17 =	sshll.u32 @!p1 s17, $0x12  }
0x38: {  	s18 =	sand.u32 @!p1 $0x4000, s18;
	s16 =	sadd.s32 @!p1 s5, s16;
	s17 =	sor.u32 @!p1 $0x400, s17  }
0x39: {  	[tilespmem:s18], [sflag:$0x1] =	stream.strided.gather @!p1 [hbm4b:s16+s17], $0x4000, s19, s17, $0x38;
	[tilespmem:$0x10100] =	vst v63  }
0x3a: {  	p1 =	sge.u32 s31, s6  }
.Ltmp2:
0x3b: {  	_ = 	snop;
	(pc) =	sbr.rel @p1 .LBB1_5-.Ltmp2, $1  }
0x3c: {  	_ =	sdelay $0x3  }
0x3d: {  	s16 =	simm.s32 $0x1  }
0x3e: {  	_ =	swait.ge [sflag:s4], $0x4000;
	s16 =	simm.s32 @!p0 $0x0  }
0x3f: {  	[sflag:s4] =	ssyncset.done $0x0;
	s17 =	sshll.u32 s16, $0xE  }
0x40: {  	[sflag:s4] =	ssyncadd.s32 $0xFFFFC000;
	s17 =	sor.u32 $0x40, s17  }
0x41: {  	s16 =	smul.u32 $0x10200, s16;
	v0 =	vld [tilespmem:s17+$0x30]  }
0x42: {  	v1 =	vld [tilespmem:s17+$0xFFFFFFD0]  }
0x43: {  	s16 =	sshrl.u32 s16, $0x2;
	v5 =	vld [tilespmem:s17+$0xFFFFFFE0]  }
0x44: {  	v6 =	vld [tilespmem:s17+$0xFFFFFFF0];
	s19 =	sor.u32 $0x8000, s16  }
0x45: {  	s31 =	sand.u32 $0x1, s13;
	v4 =	vld [tilespmem:s17+$0x0];
	s18 =	sadd.s32 $0x0, s19  }
0x46: {  	v3 =	vld [tilespmem:s17+$0x10];
	s16 =	smul.u32 $0x10200, s31;
	[tilespmem:s18+$0x3870 ss:$0x81] =	vst.msk $0xffff, v0  }
0x47: {  	v2 =	vld [tilespmem:s17+$0x20];
	[tilespmem:s18+$0x810 ss:$0x81] =	vst.msk $0xffff, v1  }
0x48: {  	s16 =	sshrl.u32 s16, $0x2;
	v1 =	vld [tilespmem:s17+$0xFFFFFFC0];
	[tilespmem:s18+$0x1020 ss:$0x81] =	vst.msk $0xffff, v5;
	s17 =	sadd.s32 $0x80, s17  }
0x49: {  	s20 =	simm.s32 $0x4;
	s21 =	simm.s32 $0x8;
	s16 =	sor.u32 $0x8000, s16;
	[tilespmem:s18+$0x1830 ss:$0x81] =	vst.msk $0xffff, v6;
	v0 =	vld [tilespmem:s17+$0x30]  }
.LBB1_3:
0x4a: {  	p1 =	sne.s32 s21, $0x1FC;
	v5 =	vld [tilespmem:s17+$0xFFFFFFD0];
	[tilespmem:s18+$0x2040 ss:$0x81] =	vst.msk $0xffff, v4  }
0x4b: {  	v6 =	vld [tilespmem:s17+$0xFFFFFFE0];
	[tilespmem:s18+$0x2850 ss:$0x81] =	vst.msk $0xffff, v3  }
0x4c: {  	s22 =	sshra.s32 s20, $0x2;
	s20 =	smov.u32 s21;
	v7 =	vld [tilespmem:s17+$0xFFFFFFF0];
	[tilespmem:s18+$0x3060 ss:$0x81] =	vst.msk $0xffff, v2  }
.Ltmp3:
0x4d: {  	v4 =	vld [tilespmem:s17+$0x0];
	[tilespmem:s18+$0x0 ss:$0x81] =	vst.msk $0xffff, v1;
	s18 =	sadd.s32 s22, s19;
	(pc) =	sbr.rel @p1 .LBB1_3-.Ltmp3, $4  }
0x4e: {  	v3 =	vld [tilespmem:s17+$0x10];
	[tilespmem:s18+$0x3870 ss:$0x81] =	vst.msk $0xffff, v0  }
0x4f: {  	[tilespmem:s18+$0x810 ss:$0x81] =	vst.msk $0xffff, v5;
	v2 =	vld [tilespmem:s17+$0x20]  }
0x50: {  	v1 =	vld [tilespmem:s17+$0xFFFFFFC0];
	[tilespmem:s18+$0x1020 ss:$0x81] =	vst.msk $0xffff, v6;
	s17 =	sadd.s32 $0x80, s17  }
0x51: {  	s21 =	sadd.s32 $0x4, s21;
	v0 =	vld [tilespmem:s17+$0x30];
	[tilespmem:s18+$0x1830 ss:$0x81] =	vst.msk $0xffff, v7  }
.Ltmp4:
0x52: {  	_ = 	snop;
	(pc) =	sbr.rel .LBB1_4-.Ltmp4, $1  }
0x53: {  	_ =	sdelay $0x3  }
.LBB1_6:
0x54: {  	_ =	sfence.sel $0x180000  }
0x55: {  	s2 =	simm.s32 $0x1;
	[bflag:$0x0] =	sbarrier.arrive $0xFFFF  }
0x56: {  	s31 =	simm.s32 $0x2;
	[sflag:s2] =	ssyncpa.u1 $0x1  }
0x57: {  	[sflag:s31] =	ssyncpa.u1 $0x1  }
0x58: {  	p0 =	sne.s32 s0, $0x0;
	_ =	strace $0x9000004D  }
0x59: {  	s0 =	sadd.s32 @!p0 $0x100000, s1;
	[bflag:$0x2] =	sbarrier.arrive $0xFFFF  }
0x5a: {  	[sflag:s0] =	ssyncadd.tile.s32 @!p0 $0x1;
	_ =	shalt  }
.Lfunc_end1:
_tile_overlayer_lowered:
.L_overlay_start_2:
0x5b: {  	(tag) =	ssettag $0x2  }
0x5c: {  	s0 =	rddreg [dreg:$0x0];
	s2 =	stileid.u32  }
0x5d: {  	s1 =	rddreg [dreg:$0x1];
	p0 =	sne.s32 s2, $0x0  }
0x5e: {  	s3 =	rddreg [dreg:$0x2];
	[bflag:$0x3] =	sbarrier.arrive $0xFFFF;
	s2 =	simm.s32 @!p0 $0x1C01  }
0x5f: {  	[timem:s3], [sflag:s2] =	dma.local @!p0 [hbm:s0], s1  }
0x60: {  	s0 =	simm.s32 @!p0 $0x1  }
0x61: {  	_ =	swait.ge @!p0 [sflag:s0], s1  }
0x62: {  	s1 =	ssub.s32 @!p0 $0x0, s1;
	[sflag:s0] =	ssyncset.done @!p0 $0x0  }
0x63: {  	[sflag:s0] =	ssyncadd.s32 @!p0 s1  }
0x64: {  	[bflag:$0x3] =	sbarrier.arrive $0xFFFF  }
0x65: {  	_ =	shalt  }

</sc_bundles>
